<compile_context>
chip_gen: v7x
topology: tpu7x:2x2x1
jax: 0.10.2.dev20260603
libtpu: 0.0.44.dev20260713+nightly
codegen_flags: <defaults>
</compile_context>

<pallas_src>
import functools

import jax
import jax.numpy as jnp
from jax import lax
from jax.experimental import pallas as pl
from jax.experimental.pallas import tpu as pltpu
from jax.experimental.pallas import tpu_sc as plsc

BB = 8
NC, NS = 2, 16
L = 16


def _rank_copy_body(rand_ref, cost_ref, rank_ref, cost_out_ref):
    r = rand_ref[...]
    bb, c = r.shape
    rj = r[:, :, None]
    rk = r[:, None, :]
    jlt = jax.lax.broadcasted_iota(jnp.int32, (bb, c, c), 1) < \
        jax.lax.broadcasted_iota(jnp.int32, (bb, c, c), 2)
    lt_f = jnp.where(rj < rk, 1.0, 0.0)
    tie_f = jnp.where((rj == rk) & jlt, 1.0, 0.0)
    rank_ref[...] = jnp.sum(lt_f + tie_f, axis=1).astype(jnp.int32)
    cost_out_ref[...] = cost_ref[...]


def _make_sc_rows(b, r, embed_dim):
    batches_per_w = b // (NC * NS)
    half = r // 2
    mesh = plsc.VectorSubcoreMesh(
        core_axis_name="c", subcore_axis_name="s",
        num_cores=NC, num_subcores=NS)

    @functools.partial(
        pl.kernel, mesh=mesh,
        out_type=jax.ShapeDtypeStruct((b, r, embed_dim), jnp.float32),
        scratch_types=[
            pltpu.VMEM((r, embed_dim), jnp.float32),
            pltpu.SemaphoreType.DMA,
        ],
    )
    def sc_rows(zpan_hbm, out_hbm, zbuf, sem):
        wid = lax.axis_index("s") * NC + lax.axis_index("c")
        pltpu.sync_copy(zpan_hbm, zbuf.at[pl.ds(0, half)])
        pltpu.sync_copy(zpan_hbm, zbuf.at[pl.ds(half, half)])
        base = wid * batches_per_w

        def batch_body(i, carry):
            pltpu.sync_copy(zbuf, out_hbm.at[base + i])
            return carry

        lax.fori_loop(0, batches_per_w, batch_body, 0)

    return sc_rows


def _make_sc_scatter(b, c, embed_dim):
    half = embed_dim // 2
    n_chunks = c // L
    batches_per_w = b // (NC * NS)
    mesh = plsc.VectorSubcoreMesh(
        core_axis_name="c", subcore_axis_name="s",
        num_cores=NC, num_subcores=NS)

    @functools.partial(
        pl.kernel, mesh=mesh,
        out_type=jax.ShapeDtypeStruct((b, c, embed_dim), jnp.float32),
        compiler_params=pltpu.CompilerParams(needs_layout_passes=False),
        cost_estimate=pl.CostEstimate(
            flops=0, transcendentals=0,
            bytes_accessed=b * c * embed_dim * 4),
        scratch_types=[
            pltpu.VMEM((c,), jnp.int32),
            pltpu.VMEM((c,), jnp.int32),
            pltpu.VMEM((half, embed_dim), jnp.float32),
            pltpu.VMEM((half, embed_dim), jnp.float32),
            pltpu.SemaphoreType.DMA,
            pltpu.SemaphoreType.DMA,
        ],
    )
    def sc_scatter(rank_hbm, zpan_hbm, out_hbm, rk0, rk1, pan_a, pan_b,
                   sem_p, sem_r):
        wid = lax.axis_index("s") * NC + lax.axis_index("c")
        zero16 = jnp.zeros((L,), jnp.float32)
        one16 = jnp.full((L,), 1.0, jnp.float32)
        kio0 = lax.iota(jnp.int32, L)

        pltpu.sync_copy(zpan_hbm, pan_a)
        pltpu.sync_copy(zpan_hbm, pan_b)

        def scatter_val(rk_v, val16):
            for ch in range(n_chunks):
                rv = rk_v[pl.ds(ch * L, L)]
                kio = kio0 + (ch * L)
                m_a = rv < half
                plsc.store_scatter(pan_a, [rv, kio], val16, mask=m_a)
                plsc.store_scatter(pan_b, [rv - half, kio], val16,
                                   mask=jnp.logical_not(m_a))

        base = wid * batches_per_w
        last = base + batches_per_w - 1

        def batch_step(bi, rk_cur, rk_next):
            scatter_val(rk_cur, one16)
            d_a = pltpu.async_copy(pan_a, out_hbm.at[bi, pl.ds(0, half)],
                                   sem_p)
            d_b = pltpu.async_copy(pan_b, out_hbm.at[bi, pl.ds(half, half)],
                                   sem_p)
            d_r = pltpu.async_copy(
                rank_hbm.at[jnp.minimum(bi + 1, last)], rk_next, sem_r)
            d_a.wait()
            d_b.wait()
            scatter_val(rk_cur, zero16)
            d_r.wait()

        pltpu.sync_copy(rank_hbm.at[base], rk0)

        def pair_body(i, carry):
            b0 = base + 2 * i
            batch_step(b0, rk0, rk1)
            batch_step(b0 + 1, rk1, rk0)
            return carry

        lax.fori_loop(0, batches_per_w // 2, pair_body, 0)

    return sc_scatter


def kernel(cost_matrix, rand):
    b, r, c = cost_matrix.shape
    embed_dim = 256
    grid = (b // BB,)
    zpan = jnp.zeros((embed_dim // 2, embed_dim), jnp.float32)
    row_emb = _make_sc_rows(b, r, embed_dim)(zpan)
    rank, cost_out = pl.pallas_call(
        _rank_copy_body,
        grid=grid,
        in_specs=[
            pl.BlockSpec((BB, c), lambda i: (i, 0)),
            pl.BlockSpec((BB, r, c), lambda i: (i, 0, 0)),
        ],
        out_specs=[
            pl.BlockSpec((BB, c), lambda i: (i, 0)),
            pl.BlockSpec((BB, r, c), lambda i: (i, 0, 0)),
        ],
        out_shape=[
            jax.ShapeDtypeStruct((b, c), jnp.int32),
            jax.ShapeDtypeStruct((b, r, c), cost_matrix.dtype),
        ],
    )(rand, cost_matrix)
    col_emb = _make_sc_scatter(b, c, embed_dim)(rank, zpan)
    return (row_emb.astype(cost_matrix.dtype),
            col_emb.astype(cost_matrix.dtype), cost_out)

# --- scband reference (transcript-rebuilt; emitter-appended) ---
"""Pipeline reference for scband-mat-net-init-embedding-37752762532194 (READ-ONLY COPY).

The authoritative reference and input builder live on the scoring server;
editing this copy changes nothing except your own understanding.
"""

import jax, jax.numpy as jnp
import numpy as np

EMBED_DIM = 256

def setup_inputs(seed: int = 0) -> dict:
    key = jax.random.key(seed)
    k1, k2 = jax.random.split(key)
    cost_matrix = jax.random.uniform(k1, (512, 256, 256), dtype=jnp.float32)
    rand = jax.random.uniform(k2, (512, 256), dtype=jnp.float32)
    return {"cost_matrix": cost_matrix, "rand": rand}

def reference(cost_matrix, rand):
    # Faithful translation of MatNetInitEmbedding.forward (mode='RandomOneHot').
    # torch.rand(b, c) inside the original forward is externalized as the
    # `rand` input for determinism.
    b, r, c = cost_matrix.shape
    row_emb = jnp.zeros((b, r, EMBED_DIM), dtype=cost_matrix.dtype)
    rand_idx = jnp.argsort(rand, axis=1)  # [b, c], values in [0, c) <= EMBED_DIM
    b_idx = jnp.broadcast_to(jnp.arange(b)[:, None], (b, c))
    n_idx = jnp.broadcast_to(jnp.arange(c)[None, :], (b, c))
    col_emb = jnp.zeros((b, c, EMBED_DIM), dtype=cost_matrix.dtype)
    col_emb = col_emb.at[b_idx, n_idx, rand_idx].set(1.0)  # scatter-overwrite
    return (row_emb, col_emb, cost_matrix)

if __name__ == "__main__":
    import jax
    _d = setup_inputs()
    print(jax.jit(kernel)(*tuple(_d.values())))

</pallas_src>

<mosaic_0001>
#map = affine_map<(d0, d1) -> (0, 0)>
#map1 = affine_map<(d0, d1) -> (0, 0, 0)>
module attributes {stable_mosaic.version = 14 : i64} {
  func.func @sc_scatter(%arg0: i32, %arg1: i32, %arg2: memref<512x256xi32, #tpu.memory_space<hbm>>, %arg3: memref<128x256xf32, #tpu.memory_space<hbm>>, %arg4: memref<512x256x256xf32, #tpu.memory_space<hbm>>, %arg5: memref<256xi32, #tpu.memory_space<vmem>>, %arg6: memref<256xi32, #tpu.memory_space<vmem>>, %arg7: memref<128x256xf32, #tpu.memory_space<vmem>>, %arg8: memref<128x256xf32, #tpu.memory_space<vmem>>, %arg9: memref<!tpu.dma_semaphore, #tpu.memory_space<semaphore_mem>>, %arg10: memref<!tpu.dma_semaphore, #tpu.memory_space<semaphore_mem>>) attributes {dimension_semantics = [#tpu.dimension_semantics<core_parallel>, #tpu.dimension_semantics<subcore_parallel>], iteration_bounds = array<i64: 2, 16>, scalar_prefetch = 0 : i64, scratch_operands = 6 : i64, tpu.core_type = #tpu.core_type<sc_vector_subcore>, window_params = [{transform_indices = #map}, {transform_indices = #map}, {transform_indices = #map1}]} {
    %mul3A = arith.constant 2 : i32
    %mul3A_0 = arith.muli %arg1, %mul3A : i32
    %add3A = arith.addi %mul3A_0, %arg0 : i32
    %broadcast_in_dim3A = arith.constant 0.000000e+00 : f32
    %broadcast_in_dim3A_1 = vector.broadcast %broadcast_in_dim3A : f32 to vector<16xf32>
    %broadcast_in_dim3A_2 = arith.constant 1.000000e+00 : f32
    %broadcast_in_dim3A_3 = vector.broadcast %broadcast_in_dim3A_2 : f32 to vector<16xf32>
    %iota3A = tpu.iota {dimensions = array<i32: 0>} : vector<16xi32>
    "tpu.region"() ({
      %run_scoped3A = tpu.sem_alloc : memref<!tpu.dma_semaphore, #tpu.memory_space<semaphore_mem>>
      tpu.enqueue_dma source(%arg3 : memref<128x256xf32, #tpu.memory_space<hbm>>) target(%arg7 : memref<128x256xf32, #tpu.memory_space<vmem>>) target_semaphore(%run_scoped3A : memref<!tpu.dma_semaphore, #tpu.memory_space<semaphore_mem>>)
      tpu.wait_dma2 semaphore(%run_scoped3A : memref<!tpu.dma_semaphore, #tpu.memory_space<semaphore_mem>>) src(%arg3 : memref<128x256xf32, #tpu.memory_space<hbm>>) dst(%arg7 : memref<128x256xf32, #tpu.memory_space<vmem>>)
      tpu.yield
    }) : () -> ()
    "tpu.region"() ({
      %run_scoped3A = tpu.sem_alloc : memref<!tpu.dma_semaphore, #tpu.memory_space<semaphore_mem>>
      tpu.enqueue_dma source(%arg3 : memref<128x256xf32, #tpu.memory_space<hbm>>) target(%arg8 : memref<128x256xf32, #tpu.memory_space<vmem>>) target_semaphore(%run_scoped3A : memref<!tpu.dma_semaphore, #tpu.memory_space<semaphore_mem>>)
      tpu.wait_dma2 semaphore(%run_scoped3A : memref<!tpu.dma_semaphore, #tpu.memory_space<semaphore_mem>>) src(%arg3 : memref<128x256xf32, #tpu.memory_space<hbm>>) dst(%arg8 : memref<128x256xf32, #tpu.memory_space<vmem>>)
      tpu.yield
    }) : () -> ()
    %mul3A_4 = arith.constant 16 : i32
    %mul3A_5 = arith.muli %add3A, %mul3A_4 : i32
    %add3A_6 = arith.constant 16 : i32
    %add3A_7 = arith.addi %mul3A_5, %add3A_6 : i32
    %sub3A = arith.constant 1 : i32
    %sub3A_8 = arith.subi %add3A_7, %sub3A : i32
    "tpu.region"() ({
      %run_scoped3A = tpu.sem_alloc : memref<!tpu.dma_semaphore, #tpu.memory_space<semaphore_mem>>
      %dma_start3A = arith.constant 0 : i32
      %dma_start3A_14 = tpu.memref_slice %arg2[%mul3A_5, %dma_start3A] : memref<512x256xi32, #tpu.memory_space<hbm>> -> memref<1x256xi32, #tpu.memory_space<hbm>>
      %dma_start3A_15 = tpu.memref_squeeze %dma_start3A_14 : memref<1x256xi32, #tpu.memory_space<hbm>> -> memref<256xi32, #tpu.memory_space<hbm>>
      %dma_start3A_16 = arith.constant 0 : i32
      %dma_start3A_17 = tpu.memref_slice %arg2[%mul3A_5, %dma_start3A_16] : memref<512x256xi32, #tpu.memory_space<hbm>> -> memref<1x256xi32, #tpu.memory_space<hbm>>
      %dma_start3A_18 = tpu.memref_squeeze %dma_start3A_17 : memref<1x256xi32, #tpu.memory_space<hbm>> -> memref<256xi32, #tpu.memory_space<hbm>>
      tpu.enqueue_dma source(%dma_start3A_18 : memref<256xi32, #tpu.memory_space<hbm>>) target(%arg5 : memref<256xi32, #tpu.memory_space<vmem>>) target_semaphore(%run_scoped3A : memref<!tpu.dma_semaphore, #tpu.memory_space<semaphore_mem>>)
      %dma_wait3A = arith.constant 0 : i32
      %dma_wait3A_19 = tpu.memref_slice %arg2[%mul3A_5, %dma_wait3A] : memref<512x256xi32, #tpu.memory_space<hbm>> -> memref<1x256xi32, #tpu.memory_space<hbm>>
      %dma_wait3A_20 = tpu.memref_squeeze %dma_wait3A_19 : memref<1x256xi32, #tpu.memory_space<hbm>> -> memref<256xi32, #tpu.memory_space<hbm>>
      %dma_wait3A_21 = arith.constant 0 : i32
      %dma_wait3A_22 = tpu.memref_slice %arg2[%mul3A_5, %dma_wait3A_21] : memref<512x256xi32, #tpu.memory_space<hbm>> -> memref<1x256xi32, #tpu.memory_space<hbm>>
      %dma_wait3A_23 = tpu.memref_squeeze %dma_wait3A_22 : memref<1x256xi32, #tpu.memory_space<hbm>> -> memref<256xi32, #tpu.memory_space<hbm>>
      tpu.wait_dma2 semaphore(%run_scoped3A : memref<!tpu.dma_semaphore, #tpu.memory_space<semaphore_mem>>) src(%dma_wait3A_23 : memref<256xi32, #tpu.memory_space<hbm>>) dst(%arg5 : memref<256xi32, #tpu.memory_space<vmem>>)
      tpu.yield
    }) : () -> ()
    %scan3A = arith.constant 0 : i32
    %scan3A_9 = arith.constant 0 : i32
    %scan3A_10 = arith.constant 8 : i32
    %scan3A_11 = arith.addi %scan3A_9, %scan3A_10 : i32
    %scan3A_12 = arith.constant 1 : i32
    scf.for %scan3A_14 = %scan3A_9 to %scan3A_11 step %scan3A_12  : i32 {
      %mul3A_15 = arith.constant 2 : i32
      %mul3A_16 = arith.muli %mul3A_15, %scan3A_14 : i32
      %add3A_17 = arith.addi %mul3A_5, %mul3A_16 : i32
      %get3A = arith.constant 0 : index
      %get3A_18 = tpu.vector_load %arg5[%get3A] {strides = array<i32>} : memref<256xi32, #tpu.memory_space<vmem>>, vector<16xi32>,
      %add3A_19 = arith.constant 0 : i32
      %add3A_20 = vector.broadcast %add3A_19 : i32 to vector<16xi32>
      %add3A_21 = arith.addi %iota3A, %add3A_20 : vector<16xi32>
      %lt3A = arith.constant 128 : i32
      %lt3A_22 = vector.broadcast %lt3A : i32 to vector<16xi32>
      %lt3A_23 = arith.cmpi slt, %get3A_18, %lt3A_22 : vector<16xi32>
      tpu.vector_store_idx %arg7[%get3A_18, %add3A_21], %broadcast_in_dim3A_3 masked %lt3A_23 : memref<128x256xf32, #tpu.memory_space<vmem>>[vector<16xi32>, vector<16xi32>], vector<16xf32>, vector<16xi1>
      %sub3A_24 = arith.constant 128 : i32
      %sub3A_25 = vector.broadcast %sub3A_24 : i32 to vector<16xi32>
      %sub3A_26 = arith.subi %get3A_18, %sub3A_25 : vector<16xi32>
      %not3A = arith.constant dense<true> : vector<16xi1>
      %not3A_27 = arith.xori %lt3A_23, %not3A : vector<16xi1>
      tpu.vector_store_idx %arg8[%sub3A_26, %add3A_21], %broadcast_in_dim3A_3 masked %not3A_27 : memref<128x256xf32, #tpu.memory_space<vmem>>[vector<16xi32>, vector<16xi32>], vector<16xf32>, vector<16xi1>
      %get3A_28 = arith.constant 16 : index
      %get3A_29 = tpu.vector_load %arg5[%get3A_28] {strides = array<i32>} : memref<256xi32, #tpu.memory_space<vmem>>, vector<16xi32>,
      %add3A_30 = arith.constant 16 : i32
      %add3A_31 = vector.broadcast %add3A_30 : i32 to vector<16xi32>
      %add3A_32 = arith.addi %iota3A, %add3A_31 : vector<16xi32>
      %lt3A_33 = arith.constant 128 : i32
      %lt3A_34 = vector.broadcast %lt3A_33 : i32 to vector<16xi32>
      %lt3A_35 = arith.cmpi slt, %get3A_29, %lt3A_34 : vector<16xi32>
      tpu.vector_store_idx %arg7[%get3A_29, %add3A_32], %broadcast_in_dim3A_3 masked %lt3A_35 : memref<128x256xf32, #tpu.memory_space<vmem>>[vector<16xi32>, vector<16xi32>], vector<16xf32>, vector<16xi1>
      %sub3A_36 = arith.constant 128 : i32
      %sub3A_37 = vector.broadcast %sub3A_36 : i32 to vector<16xi32>
      %sub3A_38 = arith.subi %get3A_29, %sub3A_37 : vector<16xi32>
      %not3A_39 = arith.constant dense<true> : vector<16xi1>
      %not3A_40 = arith.xori %lt3A_35, %not3A_39 : vector<16xi1>
      tpu.vector_store_idx %arg8[%sub3A_38, %add3A_32], %broadcast_in_dim3A_3 masked %not3A_40 : memref<128x256xf32, #tpu.memory_space<vmem>>[vector<16xi32>, vector<16xi32>], vector<16xf32>, vector<16xi1>
      %get3A_41 = arith.constant 32 : index
      %get3A_42 = tpu.vector_load %arg5[%get3A_41] {strides = array<i32>} : memref<256xi32, #tpu.memory_space<vmem>>, vector<16xi32>,
      %add3A_43 = arith.constant 32 : i32
      %add3A_44 = vector.broadcast %add3A_43 : i32 to vector<16xi32>
      %add3A_45 = arith.addi %iota3A, %add3A_44 : vector<16xi32>
      %lt3A_46 = arith.constant 128 : i32
      %lt3A_47 = vector.broadcast %lt3A_46 : i32 to vector<16xi32>
      %lt3A_48 = arith.cmpi slt, %get3A_42, %lt3A_47 : vector<16xi32>
      tpu.vector_store_idx %arg7[%get3A_42, %add3A_45], %broadcast_in_dim3A_3 masked %lt3A_48 : memref<128x256xf32, #tpu.memory_space<vmem>>[vector<16xi32>, vector<16xi32>], vector<16xf32>, vector<16xi1>
      %sub3A_49 = arith.constant 128 : i32
      %sub3A_50 = vector.broadcast %sub3A_49 : i32 to vector<16xi32>
      %sub3A_51 = arith.subi %get3A_42, %sub3A_50 : vector<16xi32>
      %not3A_52 = arith.constant dense<true> : vector<16xi1>
      %not3A_53 = arith.xori %lt3A_48, %not3A_52 : vector<16xi1>
      tpu.vector_store_idx %arg8[%sub3A_51, %add3A_45], %broadcast_in_dim3A_3 masked %not3A_53 : memref<128x256xf32, #tpu.memory_space<vmem>>[vector<16xi32>, vector<16xi32>], vector<16xf32>, vector<16xi1>
      %get3A_54 = arith.constant 48 : index
      %get3A_55 = tpu.vector_load %arg5[%get3A_54] {strides = array<i32>} : memref<256xi32, #tpu.memory_space<vmem>>, vector<16xi32>,
      %add3A_56 = arith.constant 48 : i32
      %add3A_57 = vector.broadcast %add3A_56 : i32 to vector<16xi32>
      %add3A_58 = arith.addi %iota3A, %add3A_57 : vector<16xi32>
      %lt3A_59 = arith.constant 128 : i32
      %lt3A_60 = vector.broadcast %lt3A_59 : i32 to vector<16xi32>
      %lt3A_61 = arith.cmpi slt, %get3A_55, %lt3A_60 : vector<16xi32>
      tpu.vector_store_idx %arg7[%get3A_55, %add3A_58], %broadcast_in_dim3A_3 masked %lt3A_61 : memref<128x256xf32, #tpu.memory_space<vmem>>[vector<16xi32>, vector<16xi32>], vector<16xf32>, vector<16xi1>
      %sub3A_62 = arith.constant 128 : i32
      %sub3A_63 = vector.broadcast %sub3A_62 : i32 to vector<16xi32>
      %sub3A_64 = arith.subi %get3A_55, %sub3A_63 : vector<16xi32>
      %not3A_65 = arith.constant dense<true> : vector<16xi1>
      %not3A_66 = arith.xori %lt3A_61, %not3A_65 : vector<16xi1>
      tpu.vector_store_idx %arg8[%sub3A_64, %add3A_58], %broadcast_in_dim3A_3 masked %not3A_66 : memref<128x256xf32, #tpu.memory_space<vmem>>[vector<16xi32>, vector<16xi32>], vector<16xf32>, vector<16xi1>
      %get3A_67 = arith.constant 64 : index
      %get3A_68 = tpu.vector_load %arg5[%get3A_67] {strides = array<i32>} : memref<256xi32, #tpu.memory_space<vmem>>, vector<16xi32>,
      %add3A_69 = arith.constant 64 : i32
      %add3A_70 = vector.broadcast %add3A_69 : i32 to vector<16xi32>
      %add3A_71 = arith.addi %iota3A, %add3A_70 : vector<16xi32>
      %lt3A_72 = arith.constant 128 : i32
      %lt3A_73 = vector.broadcast %lt3A_72 : i32 to vector<16xi32>
      %lt3A_74 = arith.cmpi slt, %get3A_68, %lt3A_73 : vector<16xi32>
      tpu.vector_store_idx %arg7[%get3A_68, %add3A_71], %broadcast_in_dim3A_3 masked %lt3A_74 : memref<128x256xf32, #tpu.memory_space<vmem>>[vector<16xi32>, vector<16xi32>], vector<16xf32>, vector<16xi1>
      %sub3A_75 = arith.constant 128 : i32
      %sub3A_76 = vector.broadcast %sub3A_75 : i32 to vector<16xi32>
      %sub3A_77 = arith.subi %get3A_68, %sub3A_76 : vector<16xi32>
      %not3A_78 = arith.constant dense<true> : vector<16xi1>
      %not3A_79 = arith.xori %lt3A_74, %not3A_78 : vector<16xi1>
      tpu.vector_store_idx %arg8[%sub3A_77, %add3A_71], %broadcast_in_dim3A_3 masked %not3A_79 : memref<128x256xf32, #tpu.memory_space<vmem>>[vector<16xi32>, vector<16xi32>], vector<16xf32>, vector<16xi1>
      %get3A_80 = arith.constant 80 : index
      %get3A_81 = tpu.vector_load %arg5[%get3A_80] {strides = array<i32>} : memref<256xi32, #tpu.memory_space<vmem>>, vector<16xi32>,
      %add3A_82 = arith.constant 80 : i32
      %add3A_83 = vector.broadcast %add3A_82 : i32 to vector<16xi32>
      %add3A_84 = arith.addi %iota3A, %add3A_83 : vector<16xi32>
      %lt3A_85 = arith.constant 128 : i32
      %lt3A_86 = vector.broadcast %lt3A_85 : i32 to vector<16xi32>
      %lt3A_87 = arith.cmpi slt, %get3A_81, %lt3A_86 : vector<16xi32>
      tpu.vector_store_idx %arg7[%get3A_81, %add3A_84], %broadcast_in_dim3A_3 masked %lt3A_87 : memref<128x256xf32, #tpu.memory_space<vmem>>[vector<16xi32>, vector<16xi32>], vector<16xf32>, vector<16xi1>
      %sub3A_88 = arith.constant 128 : i32
      %sub3A_89 = vector.broadcast %sub3A_88 : i32 to vector<16xi32>
      %sub3A_90 = arith.subi %get3A_81, %sub3A_89 : vector<16xi32>
      %not3A_91 = arith.constant dense<true> : vector<16xi1>
      %not3A_92 = arith.xori %lt3A_87, %not3A_91 : vector<16xi1>
      tpu.vector_store_idx %arg8[%sub3A_90, %add3A_84], %broadcast_in_dim3A_3 masked %not3A_92 : memref<128x256xf32, #tpu.memory_space<vmem>>[vector<16xi32>, vector<16xi32>], vector<16xf32>, vector<16xi1>
      %get3A_93 = arith.constant 96 : index
      %get3A_94 = tpu.vector_load %arg5[%get3A_93] {strides = array<i32>} : memref<256xi32, #tpu.memory_space<vmem>>, vector<16xi32>,
      %add3A_95 = arith.constant 96 : i32
      %add3A_96 = vector.broadcast %add3A_95 : i32 to vector<16xi32>
      %add3A_97 = arith.addi %iota3A, %add3A_96 : vector<16xi32>
      %lt3A_98 = arith.constant 128 : i32
      %lt3A_99 = vector.broadcast %lt3A_98 : i32 to vector<16xi32>
      %lt3A_100 = arith.cmpi slt, %get3A_94, %lt3A_99 : vector<16xi32>
      tpu.vector_store_idx %arg7[%get3A_94, %add3A_97], %broadcast_in_dim3A_3 masked %lt3A_100 : memref<128x256xf32, #tpu.memory_space<vmem>>[vector<16xi32>, vector<16xi32>], vector<16xf32>, vector<16xi1>
      %sub3A_101 = arith.constant 128 : i32
      %sub3A_102 = vector.broadcast %sub3A_101 : i32 to vector<16xi32>
      %sub3A_103 = arith.subi %get3A_94, %sub3A_102 : vector<16xi32>
      %not3A_104 = arith.constant dense<true> : vector<16xi1>
      %not3A_105 = arith.xori %lt3A_100, %not3A_104 : vector<16xi1>
      tpu.vector_store_idx %arg8[%sub3A_103, %add3A_97], %broadcast_in_dim3A_3 masked %not3A_105 : memref<128x256xf32, #tpu.memory_space<vmem>>[vector<16xi32>, vector<16xi32>], vector<16xf32>, vector<16xi1>
      %get3A_106 = arith.constant 112 : index
      %get3A_107 = tpu.vector_load %arg5[%get3A_106] {strides = array<i32>} : memref<256xi32, #tpu.memory_space<vmem>>, vector<16xi32>,
      %add3A_108 = arith.constant 112 : i32
      %add3A_109 = vector.broadcast %add3A_108 : i32 to vector<16xi32>
      %add3A_110 = arith.addi %iota3A, %add3A_109 : vector<16xi32>
      %lt3A_111 = arith.constant 128 : i32
      %lt3A_112 = vector.broadcast %lt3A_111 : i32 to vector<16xi32>
      %lt3A_113 = arith.cmpi slt, %get3A_107, %lt3A_112 : vector<16xi32>
      tpu.vector_store_idx %arg7[%get3A_107, %add3A_110], %broadcast_in_dim3A_3 masked %lt3A_113 : memref<128x256xf32, #tpu.memory_space<vmem>>[vector<16xi32>, vector<16xi32>], vector<16xf32>, vector<16xi1>
      %sub3A_114 = arith.constant 128 : i32
      %sub3A_115 = vector.broadcast %sub3A_114 : i32 to vector<16xi32>
      %sub3A_116 = arith.subi %get3A_107, %sub3A_115 : vector<16xi32>
      %not3A_117 = arith.constant dense<true> : vector<16xi1>
      %not3A_118 = arith.xori %lt3A_113, %not3A_117 : vector<16xi1>
      tpu.vector_store_idx %arg8[%sub3A_116, %add3A_110], %broadcast_in_dim3A_3 masked %not3A_118 : memref<128x256xf32, #tpu.memory_space<vmem>>[vector<16xi32>, vector<16xi32>], vector<16xf32>, vector<16xi1>
      %get3A_119 = arith.constant 128 : index
      %get3A_120 = tpu.vector_load %arg5[%get3A_119] {strides = array<i32>} : memref<256xi32, #tpu.memory_space<vmem>>, vector<16xi32>,
      %add3A_121 = arith.constant 128 : i32
      %add3A_122 = vector.broadcast %add3A_121 : i32 to vector<16xi32>
      %add3A_123 = arith.addi %iota3A, %add3A_122 : vector<16xi32>
      %lt3A_124 = arith.constant 128 : i32
      %lt3A_125 = vector.broadcast %lt3A_124 : i32 to vector<16xi32>
      %lt3A_126 = arith.cmpi slt, %get3A_120, %lt3A_125 : vector<16xi32>
      tpu.vector_store_idx %arg7[%get3A_120, %add3A_123], %broadcast_in_dim3A_3 masked %lt3A_126 : memref<128x256xf32, #tpu.memory_space<vmem>>[vector<16xi32>, vector<16xi32>], vector<16xf32>, vector<16xi1>
      %sub3A_127 = arith.constant 128 : i32
      %sub3A_128 = vector.broadcast %sub3A_127 : i32 to vector<16xi32>
      %sub3A_129 = arith.subi %get3A_120, %sub3A_128 : vector<16xi32>
      %not3A_130 = arith.constant dense<true> : vector<16xi1>
      %not3A_131 = arith.xori %lt3A_126, %not3A_130 : vector<16xi1>
      tpu.vector_store_idx %arg8[%sub3A_129, %add3A_123], %broadcast_in_dim3A_3 masked %not3A_131 : memref<128x256xf32, #tpu.memory_space<vmem>>[vector<16xi32>, vector<16xi32>], vector<16xf32>, vector<16xi1>
      %get3A_132 = arith.constant 144 : index
      %get3A_133 = tpu.vector_load %arg5[%get3A_132] {strides = array<i32>} : memref<256xi32, #tpu.memory_space<vmem>>, vector<16xi32>,
      %add3A_134 = arith.constant 144 : i32
      %add3A_135 = vector.broadcast %add3A_134 : i32 to vector<16xi32>
      %add3A_136 = arith.addi %iota3A, %add3A_135 : vector<16xi32>
      %lt3A_137 = arith.constant 128 : i32
      %lt3A_138 = vector.broadcast %lt3A_137 : i32 to vector<16xi32>
      %lt3A_139 = arith.cmpi slt, %get3A_133, %lt3A_138 : vector<16xi32>
      tpu.vector_store_idx %arg7[%get3A_133, %add3A_136], %broadcast_in_dim3A_3 masked %lt3A_139 : memref<128x256xf32, #tpu.memory_space<vmem>>[vector<16xi32>, vector<16xi32>], vector<16xf32>, vector<16xi1>
      %sub3A_140 = arith.constant 128 : i32
      %sub3A_141 = vector.broadcast %sub3A_140 : i32 to vector<16xi32>
      %sub3A_142 = arith.subi %get3A_133, %sub3A_141 : vector<16xi32>
      %not3A_143 = arith.constant dense<true> : vector<16xi1>
      %not3A_144 = arith.xori %lt3A_139, %not3A_143 : vector<16xi1>
      tpu.vector_store_idx %arg8[%sub3A_142, %add3A_136], %broadcast_in_dim3A_3 masked %not3A_144 : memref<128x256xf32, #tpu.memory_space<vmem>>[vector<16xi32>, vector<16xi32>], vector<16xf32>, vector<16xi1>
      %get3A_145 = arith.constant 160 : index
      %get3A_146 = tpu.vector_load %arg5[%get3A_145] {strides = array<i32>} : memref<256xi32, #tpu.memory_space<vmem>>, vector<16xi32>,
      %add3A_147 = arith.constant 160 : i32
      %add3A_148 = vector.broadcast %add3A_147 : i32 to vector<16xi32>
      %add3A_149 = arith.addi %iota3A, %add3A_148 : vector<16xi32>
      %lt3A_150 = arith.constant 128 : i32
      %lt3A_151 = vector.broadcast %lt3A_150 : i32 to vector<16xi32>
      %lt3A_152 = arith.cmpi slt, %get3A_146, %lt3A_151 : vector<16xi32>
      tpu.vector_store_idx %arg7[%get3A_146, %add3A_149], %broadcast_in_dim3A_3 masked %lt3A_152 : memref<128x256xf32, #tpu.memory_space<vmem>>[vector<16xi32>, vector<16xi32>], vector<16xf32>, vector<16xi1>
      %sub3A_153 = arith.constant 128 : i32
      %sub3A_154 = vector.broadcast %sub3A_153 : i32 to vector<16xi32>
      %sub3A_155 = arith.subi %get3A_146, %sub3A_154 : vector<16xi32>
      %not3A_156 = arith.constant dense<true> : vector<16xi1>
      %not3A_157 = arith.xori %lt3A_152, %not3A_156 : vector<16xi1>
      tpu.vector_store_idx %arg8[%sub3A_155, %add3A_149], %broadcast_in_dim3A_3 masked %not3A_157 : memref<128x256xf32, #tpu.memory_space<vmem>>[vector<16xi32>, vector<16xi32>], vector<16xf32>, vector<16xi1>
      %get3A_158 = arith.constant 176 : index
      %get3A_159 = tpu.vector_load %arg5[%get3A_158] {strides = array<i32>} : memref<256xi32, #tpu.memory_space<vmem>>, vector<16xi32>,
      %add3A_160 = arith.constant 176 : i32
      %add3A_161 = vector.broadcast %add3A_160 : i32 to vector<16xi32>
      %add3A_162 = arith.addi %iota3A, %add3A_161 : vector<16xi32>
      %lt3A_163 = arith.constant 128 : i32
      %lt3A_164 = vector.broadcast %lt3A_163 : i32 to vector<16xi32>
      %lt3A_165 = arith.cmpi slt, %get3A_159, %lt3A_164 : vector<16xi32>
      tpu.vector_store_idx %arg7[%get3A_159, %add3A_162], %broadcast_in_dim3A_3 masked %lt3A_165 : memref<128x256xf32, #tpu.memory_space<vmem>>[vector<16xi32>, vector<16xi32>], vector<16xf32>, vector<16xi1>
      %sub3A_166 = arith.constant 128 : i32
      %sub3A_167 = vector.broadcast %sub3A_166 : i32 to vector<16xi32>
      %sub3A_168 = arith.subi %get3A_159, %sub3A_167 : vector<16xi32>
      %not3A_169 = arith.constant dense<true> : vector<16xi1>
      %not3A_170 = arith.xori %lt3A_165, %not3A_169 : vector<16xi1>
      tpu.vector_store_idx %arg8[%sub3A_168, %add3A_162], %broadcast_in_dim3A_3 masked %not3A_170 : memref<128x256xf32, #tpu.memory_space<vmem>>[vector<16xi32>, vector<16xi32>], vector<16xf32>, vector<16xi1>
      %get3A_171 = arith.constant 192 : index
      %get3A_172 = tpu.vector_load %arg5[%get3A_171] {strides = array<i32>} : memref<256xi32, #tpu.memory_space<vmem>>, vector<16xi32>,
      %add3A_173 = arith.constant 192 : i32
      %add3A_174 = vector.broadcast %add3A_173 : i32 to vector<16xi32>
      %add3A_175 = arith.addi %iota3A, %add3A_174 : vector<16xi32>
      %lt3A_176 = arith.constant 128 : i32
      %lt3A_177 = vector.broadcast %lt3A_176 : i32 to vector<16xi32>
      %lt3A_178 = arith.cmpi slt, %get3A_172, %lt3A_177 : vector<16xi32>
      tpu.vector_store_idx %arg7[%get3A_172, %add3A_175], %broadcast_in_dim3A_3 masked %lt3A_178 : memref<128x256xf32, #tpu.memory_space<vmem>>[vector<16xi32>, vector<16xi32>], vector<16xf32>, vector<16xi1>
      %sub3A_179 = arith.constant 128 : i32
      %sub3A_180 = vector.broadcast %sub3A_179 : i32 to vector<16xi32>
      %sub3A_181 = arith.subi %get3A_172, %sub3A_180 : vector<16xi32>
      %not3A_182 = arith.constant dense<true> : vector<16xi1>
      %not3A_183 = arith.xori %lt3A_178, %not3A_182 : vector<16xi1>
      tpu.vector_store_idx %arg8[%sub3A_181, %add3A_175], %broadcast_in_dim3A_3 masked %not3A_183 : memref<128x256xf32, #tpu.memory_space<vmem>>[vector<16xi32>, vector<16xi32>], vector<16xf32>, vector<16xi1>
      %get3A_184 = arith.constant 208 : index
      %get3A_185 = tpu.vector_load %arg5[%get3A_184] {strides = array<i32>} : memref<256xi32, #tpu.memory_space<vmem>>, vector<16xi32>,
      %add3A_186 = arith.constant 208 : i32
      %add3A_187 = vector.broadcast %add3A_186 : i32 to vector<16xi32>
      %add3A_188 = arith.addi %iota3A, %add3A_187 : vector<16xi32>
      %lt3A_189 = arith.constant 128 : i32
      %lt3A_190 = vector.broadcast %lt3A_189 : i32 to vector<16xi32>
      %lt3A_191 = arith.cmpi slt, %get3A_185, %lt3A_190 : vector<16xi32>
      tpu.vector_store_idx %arg7[%get3A_185, %add3A_188], %broadcast_in_dim3A_3 masked %lt3A_191 : memref<128x256xf32, #tpu.memory_space<vmem>>[vector<16xi32>, vector<16xi32>], vector<16xf32>, vector<16xi1>
      %sub3A_192 = arith.constant 128 : i32
      %sub3A_193 = vector.broadcast %sub3A_192 : i32 to vector<16xi32>
      %sub3A_194 = arith.subi %get3A_185, %sub3A_193 : vector<16xi32>
      %not3A_195 = arith.constant dense<true> : vector<16xi1>
      %not3A_196 = arith.xori %lt3A_191, %not3A_195 : vector<16xi1>
      tpu.vector_store_idx %arg8[%sub3A_194, %add3A_188], %broadcast_in_dim3A_3 masked %not3A_196 : memref<128x256xf32, #tpu.memory_space<vmem>>[vector<16xi32>, vector<16xi32>], vector<16xf32>, vector<16xi1>
      %get3A_197 = arith.constant 224 : index
      %get3A_198 = tpu.vector_load %arg5[%get3A_197] {strides = array<i32>} : memref<256xi32, #tpu.memory_space<vmem>>, vector<16xi32>,
      %add3A_199 = arith.constant 224 : i32
      %add3A_200 = vector.broadcast %add3A_199 : i32 to vector<16xi32>
      %add3A_201 = arith.addi %iota3A, %add3A_200 : vector<16xi32>
      %lt3A_202 = arith.constant 128 : i32
      %lt3A_203 = vector.broadcast %lt3A_202 : i32 to vector<16xi32>
      %lt3A_204 = arith.cmpi slt, %get3A_198, %lt3A_203 : vector<16xi32>
      tpu.vector_store_idx %arg7[%get3A_198, %add3A_201], %broadcast_in_dim3A_3 masked %lt3A_204 : memref<128x256xf32, #tpu.memory_space<vmem>>[vector<16xi32>, vector<16xi32>], vector<16xf32>, vector<16xi1>
      %sub3A_205 = arith.constant 128 : i32
      %sub3A_206 = vector.broadcast %sub3A_205 : i32 to vector<16xi32>
      %sub3A_207 = arith.subi %get3A_198, %sub3A_206 : vector<16xi32>
      %not3A_208 = arith.constant dense<true> : vector<16xi1>
      %not3A_209 = arith.xori %lt3A_204, %not3A_208 : vector<16xi1>
      tpu.vector_store_idx %arg8[%sub3A_207, %add3A_201], %broadcast_in_dim3A_3 masked %not3A_209 : memref<128x256xf32, #tpu.memory_space<vmem>>[vector<16xi32>, vector<16xi32>], vector<16xf32>, vector<16xi1>
      %get3A_210 = arith.constant 240 : index
      %get3A_211 = tpu.vector_load %arg5[%get3A_210] {strides = array<i32>} : memref<256xi32, #tpu.memory_space<vmem>>, vector<16xi32>,
      %add3A_212 = arith.constant 240 : i32
      %add3A_213 = vector.broadcast %add3A_212 : i32 to vector<16xi32>
      %add3A_214 = arith.addi %iota3A, %add3A_213 : vector<16xi32>
      %lt3A_215 = arith.constant 128 : i32
      %lt3A_216 = vector.broadcast %lt3A_215 : i32 to vector<16xi32>
      %lt3A_217 = arith.cmpi slt, %get3A_211, %lt3A_216 : vector<16xi32>
      tpu.vector_store_idx %arg7[%get3A_211, %add3A_214], %broadcast_in_dim3A_3 masked %lt3A_217 : memref<128x256xf32, #tpu.memory_space<vmem>>[vector<16xi32>, vector<16xi32>], vector<16xf32>, vector<16xi1>
      %sub3A_218 = arith.constant 128 : i32
      %sub3A_219 = vector.broadcast %sub3A_218 : i32 to vector<16xi32>
      %sub3A_220 = arith.subi %get3A_211, %sub3A_219 : vector<16xi32>
      %not3A_221 = arith.constant dense<true> : vector<16xi1>
      %not3A_222 = arith.xori %lt3A_217, %not3A_221 : vector<16xi1>
      tpu.vector_store_idx %arg8[%sub3A_220, %add3A_214], %broadcast_in_dim3A_3 masked %not3A_222 : memref<128x256xf32, #tpu.memory_space<vmem>>[vector<16xi32>, vector<16xi32>], vector<16xf32>, vector<16xi1>
      %dma_start3A = arith.constant 0 : i32
      %dma_start3A_223 = arith.constant 0 : i32
      %dma_start3A_224 = tpu.memref_slice %arg4[%add3A_17, %dma_start3A, %dma_start3A_223] : memref<512x256x256xf32, #tpu.memory_space<hbm>> -> memref<1x128x256xf32, #tpu.memory_space<hbm>>
      %dma_start3A_225 = tpu.memref_squeeze %dma_start3A_224 : memref<1x128x256xf32, #tpu.memory_space<hbm>> -> memref<128x256xf32, #tpu.memory_space<hbm>>
      %dma_start3A_226 = arith.constant 0 : i32
      %dma_start3A_227 = arith.constant 0 : i32
      %dma_start3A_228 = tpu.memref_slice %arg4[%add3A_17, %dma_start3A_226, %dma_start3A_227] : memref<512x256x256xf32, #tpu.memory_space<hbm>> -> memref<1x128x256xf32, #tpu.memory_space<hbm>>
      %dma_start3A_229 = tpu.memref_squeeze %dma_start3A_228 : memref<1x128x256xf32, #tpu.memory_space<hbm>> -> memref<128x256xf32, #tpu.memory_space<hbm>>
      tpu.enqueue_dma source(%arg7 : memref<128x256xf32, #tpu.memory_space<vmem>>) target(%dma_start3A_229 : memref<128x256xf32, #tpu.memory_space<hbm>>) target_semaphore(%arg9 : memref<!tpu.dma_semaphore, #tpu.memory_space<semaphore_mem>>)
      %dma_start3A_230 = arith.constant 128 : i32
      %dma_start3A_231 = arith.constant 0 : i32
      %dma_start3A_232 = tpu.memref_slice %arg4[%add3A_17, %dma_start3A_230, %dma_start3A_231] : memref<512x256x256xf32, #tpu.memory_space<hbm>> -> memref<1x128x256xf32, #tpu.memory_space<hbm>>
      %dma_start3A_233 = tpu.memref_squeeze %dma_start3A_232 : memref<1x128x256xf32, #tpu.memory_space<hbm>> -> memref<128x256xf32, #tpu.memory_space<hbm>>
      %dma_start3A_234 = arith.constant 128 : i32
      %dma_start3A_235 = arith.constant 0 : i32
      %dma_start3A_236 = tpu.memref_slice %arg4[%add3A_17, %dma_start3A_234, %dma_start3A_235] : memref<512x256x256xf32, #tpu.memory_space<hbm>> -> memref<1x128x256xf32, #tpu.memory_space<hbm>>
      %dma_start3A_237 = tpu.memref_squeeze %dma_start3A_236 : memref<1x128x256xf32, #tpu.memory_space<hbm>> -> memref<128x256xf32, #tpu.memory_space<hbm>>
      tpu.enqueue_dma source(%arg8 : memref<128x256xf32, #tpu.memory_space<vmem>>) target(%dma_start3A_237 : memref<128x256xf32, #tpu.memory_space<hbm>>) target_semaphore(%arg9 : memref<!tpu.dma_semaphore, #tpu.memory_space<semaphore_mem>>)
      %add3A_238 = arith.constant 1 : i32
      %add3A_239 = arith.addi %add3A_17, %add3A_238 : i32
      %min3A = arith.minsi %add3A_239, %sub3A_8 : i32
      %dma_start3A_240 = arith.constant 0 : i32
      %dma_start3A_241 = tpu.memref_slice %arg2[%min3A, %dma_start3A_240] : memref<512x256xi32, #tpu.memory_space<hbm>> -> memref<1x256xi32, #tpu.memory_space<hbm>>
      %dma_start3A_242 = tpu.memref_squeeze %dma_start3A_241 : memref<1x256xi32, #tpu.memory_space<hbm>> -> memref<256xi32, #tpu.memory_space<hbm>>
      %dma_start3A_243 = arith.constant 0 : i32
      %dma_start3A_244 = tpu.memref_slice %arg2[%min3A, %dma_start3A_243] : memref<512x256xi32, #tpu.memory_space<hbm>> -> memref<1x256xi32, #tpu.memory_space<hbm>>
      %dma_start3A_245 = tpu.memref_squeeze %dma_start3A_244 : memref<1x256xi32, #tpu.memory_space<hbm>> -> memref<256xi32, #tpu.memory_space<hbm>>
      tpu.enqueue_dma source(%dma_start3A_245 : memref<256xi32, #tpu.memory_space<hbm>>) target(%arg6 : memref<256xi32, #tpu.memory_space<vmem>>) target_semaphore(%arg10 : memref<!tpu.dma_semaphore, #tpu.memory_space<semaphore_mem>>)
      %dma_wait3A = arith.constant 0 : i32
      %dma_wait3A_246 = arith.constant 0 : i32
      %dma_wait3A_247 = tpu.memref_slice %arg4[%add3A_17, %dma_wait3A, %dma_wait3A_246] : memref<512x256x256xf32, #tpu.memory_space<hbm>> -> memref<1x128x256xf32, #tpu.memory_space<hbm>>
      %dma_wait3A_248 = tpu.memref_squeeze %dma_wait3A_247 : memref<1x128x256xf32, #tpu.memory_space<hbm>> -> memref<128x256xf32, #tpu.memory_space<hbm>>
      %dma_wait3A_249 = arith.constant 0 : i32
      %dma_wait3A_250 = arith.constant 0 : i32
      %dma_wait3A_251 = tpu.memref_slice %arg4[%add3A_17, %dma_wait3A_249, %dma_wait3A_250] : memref<512x256x256xf32, #tpu.memory_space<hbm>> -> memref<1x128x256xf32, #tpu.memory_space<hbm>>
      %dma_wait3A_252 = tpu.memref_squeeze %dma_wait3A_251 : memref<1x128x256xf32, #tpu.memory_space<hbm>> -> memref<128x256xf32, #tpu.memory_space<hbm>>
      tpu.wait_dma2 semaphore(%arg9 : memref<!tpu.dma_semaphore, #tpu.memory_space<semaphore_mem>>) src(%arg7 : memref<128x256xf32, #tpu.memory_space<vmem>>) dst(%dma_wait3A_252 : memref<128x256xf32, #tpu.memory_space<hbm>>)
      %dma_wait3A_253 = arith.constant 128 : i32
      %dma_wait3A_254 = arith.constant 0 : i32
      %dma_wait3A_255 = tpu.memref_slice %arg4[%add3A_17, %dma_wait3A_253, %dma_wait3A_254] : memref<512x256x256xf32, #tpu.memory_space<hbm>> -> memref<1x128x256xf32, #tpu.memory_space<hbm>>
      %dma_wait3A_256 = tpu.memref_squeeze %dma_wait3A_255 : memref<1x128x256xf32, #tpu.memory_space<hbm>> -> memref<128x256xf32, #tpu.memory_space<hbm>>
      %dma_wait3A_257 = arith.constant 128 : i32
      %dma_wait3A_258 = arith.constant 0 : i32
      %dma_wait3A_259 = tpu.memref_slice %arg4[%add3A_17, %dma_wait3A_257, %dma_wait3A_258] : memref<512x256x256xf32, #tpu.memory_space<hbm>> -> memref<1x128x256xf32, #tpu.memory_space<hbm>>
      %dma_wait3A_260 = tpu.memref_squeeze %dma_wait3A_259 : memref<1x128x256xf32, #tpu.memory_space<hbm>> -> memref<128x256xf32, #tpu.memory_space<hbm>>
      tpu.wait_dma2 semaphore(%arg9 : memref<!tpu.dma_semaphore, #tpu.memory_space<semaphore_mem>>) src(%arg8 : memref<128x256xf32, #tpu.memory_space<vmem>>) dst(%dma_wait3A_260 : memref<128x256xf32, #tpu.memory_space<hbm>>)
      %get3A_261 = arith.constant 0 : index
      %get3A_262 = tpu.vector_load %arg5[%get3A_261] {strides = array<i32>} : memref<256xi32, #tpu.memory_space<vmem>>, vector<16xi32>,
      %add3A_263 = arith.constant 0 : i32
      %add3A_264 = vector.broadcast %add3A_263 : i32 to vector<16xi32>
      %add3A_265 = arith.addi %iota3A, %add3A_264 : vector<16xi32>
      %lt3A_266 = arith.constant 128 : i32
      %lt3A_267 = vector.broadcast %lt3A_266 : i32 to vector<16xi32>
      %lt3A_268 = arith.cmpi slt, %get3A_262, %lt3A_267 : vector<16xi32>
      tpu.vector_store_idx %arg7[%get3A_262, %add3A_265], %broadcast_in_dim3A_1 masked %lt3A_268 : memref<128x256xf32, #tpu.memory_space<vmem>>[vector<16xi32>, vector<16xi32>], vector<16xf32>, vector<16xi1>
      %sub3A_269 = arith.constant 128 : i32
      %sub3A_270 = vector.broadcast %sub3A_269 : i32 to vector<16xi32>
      %sub3A_271 = arith.subi %get3A_262, %sub3A_270 : vector<16xi32>
      %not3A_272 = arith.constant dense<true> : vector<16xi1>
      %not3A_273 = arith.xori %lt3A_268, %not3A_272 : vector<16xi1>
      tpu.vector_store_idx %arg8[%sub3A_271, %add3A_265], %broadcast_in_dim3A_1 masked %not3A_273 : memref<128x256xf32, #tpu.memory_space<vmem>>[vector<16xi32>, vector<16xi32>], vector<16xf32>, vector<16xi1>
      %get3A_274 = arith.constant 16 : index
      %get3A_275 = tpu.vector_load %arg5[%get3A_274] {strides = array<i32>} : memref<256xi32, #tpu.memory_space<vmem>>, vector<16xi32>,
      %add3A_276 = arith.constant 16 : i32
      %add3A_277 = vector.broadcast %add3A_276 : i32 to vector<16xi32>
      %add3A_278 = arith.addi %iota3A, %add3A_277 : vector<16xi32>
      %lt3A_279 = arith.constant 128 : i32
      %lt3A_280 = vector.broadcast %lt3A_279 : i32 to vector<16xi32>
      %lt3A_281 = arith.cmpi slt, %get3A_275, %lt3A_280 : vector<16xi32>
      tpu.vector_store_idx %arg7[%get3A_275, %add3A_278], %broadcast_in_dim3A_1 masked %lt3A_281 : memref<128x256xf32, #tpu.memory_space<vmem>>[vector<16xi32>, vector<16xi32>], vector<16xf32>, vector<16xi1>
      %sub3A_282 = arith.constant 128 : i32
      %sub3A_283 = vector.broadcast %sub3A_282 : i32 to vector<16xi32>
      %sub3A_284 = arith.subi %get3A_275, %sub3A_283 : vector<16xi32>
      %not3A_285 = arith.constant dense<true> : vector<16xi1>
      %not3A_286 = arith.xori %lt3A_281, %not3A_285 : vector<16xi1>
      tpu.vector_store_idx %arg8[%sub3A_284, %add3A_278], %broadcast_in_dim3A_1 masked %not3A_286 : memref<128x256xf32, #tpu.memory_space<vmem>>[vector<16xi32>, vector<16xi32>], vector<16xf32>, vector<16xi1>
      %get3A_287 = arith.constant 32 : index
      %get3A_288 = tpu.vector_load %arg5[%get3A_287] {strides = array<i32>} : memref<256xi32, #tpu.memory_space<vmem>>, vector<16xi32>,
      %add3A_289 = arith.constant 32 : i32
      %add3A_290 = vector.broadcast %add3A_289 : i32 to vector<16xi32>
      %add3A_291 = arith.addi %iota3A, %add3A_290 : vector<16xi32>
      %lt3A_292 = arith.constant 128 : i32
      %lt3A_293 = vector.broadcast %lt3A_292 : i32 to vector<16xi32>
      %lt3A_294 = arith.cmpi slt, %get3A_288, %lt3A_293 : vector<16xi32>
      tpu.vector_store_idx %arg7[%get3A_288, %add3A_291], %broadcast_in_dim3A_1 masked %lt3A_294 : memref<128x256xf32, #tpu.memory_space<vmem>>[vector<16xi32>, vector<16xi32>], vector<16xf32>, vector<16xi1>
      %sub3A_295 = arith.constant 128 : i32
      %sub3A_296 = vector.broadcast %sub3A_295 : i32 to vector<16xi32>
      %sub3A_297 = arith.subi %get3A_288, %sub3A_296 : vector<16xi32>
      %not3A_298 = arith.constant dense<true> : vector<16xi1>
      %not3A_299 = arith.xori %lt3A_294, %not3A_298 : vector<16xi1>
      tpu.vector_store_idx %arg8[%sub3A_297, %add3A_291], %broadcast_in_dim3A_1 masked %not3A_299 : memref<128x256xf32, #tpu.memory_space<vmem>>[vector<16xi32>, vector<16xi32>], vector<16xf32>, vector<16xi1>
      %get3A_300 = arith.constant 48 : index
      %get3A_301 = tpu.vector_load %arg5[%get3A_300] {strides = array<i32>} : memref<256xi32, #tpu.memory_space<vmem>>, vector<16xi32>,
      %add3A_302 = arith.constant 48 : i32
      %add3A_303 = vector.broadcast %add3A_302 : i32 to vector<16xi32>
      %add3A_304 = arith.addi %iota3A, %add3A_303 : vector<16xi32>
      %lt3A_305 = arith.constant 128 : i32
      %lt3A_306 = vector.broadcast %lt3A_305 : i32 to vector<16xi32>
      %lt3A_307 = arith.cmpi slt, %get3A_301, %lt3A_306 : vector<16xi32>
      tpu.vector_store_idx %arg7[%get3A_301, %add3A_304], %broadcast_in_dim3A_1 masked %lt3A_307 : memref<128x256xf32, #tpu.memory_space<vmem>>[vector<16xi32>, vector<16xi32>], vector<16xf32>, vector<16xi1>
      %sub3A_308 = arith.constant 128 : i32
      %sub3A_309 = vector.broadcast %sub3A_308 : i32 to vector<16xi32>
      %sub3A_310 = arith.subi %get3A_301, %sub3A_309 : vector<16xi32>
      %not3A_311 = arith.constant dense<true> : vector<16xi1>
      %not3A_312 = arith.xori %lt3A_307, %not3A_311 : vector<16xi1>
      tpu.vector_store_idx %arg8[%sub3A_310, %add3A_304], %broadcast_in_dim3A_1 masked %not3A_312 : memref<128x256xf32, #tpu.memory_space<vmem>>[vector<16xi32>, vector<16xi32>], vector<16xf32>, vector<16xi1>
      %get3A_313 = arith.constant 64 : index
      %get3A_314 = tpu.vector_load %arg5[%get3A_313] {strides = array<i32>} : memref<256xi32, #tpu.memory_space<vmem>>, vector<16xi32>,
      %add3A_315 = arith.constant 64 : i32
      %add3A_316 = vector.broadcast %add3A_315 : i32 to vector<16xi32>
      %add3A_317 = arith.addi %iota3A, %add3A_316 : vector<16xi32>
      %lt3A_318 = arith.constant 128 : i32
      %lt3A_319 = vector.broadcast %lt3A_318 : i32 to vector<16xi32>
      %lt3A_320 = arith.cmpi slt, %get3A_314, %lt3A_319 : vector<16xi32>
      tpu.vector_store_idx %arg7[%get3A_314, %add3A_317], %broadcast_in_dim3A_1 masked %lt3A_320 : memref<128x256xf32, #tpu.memory_space<vmem>>[vector<16xi32>, vector<16xi32>], vector<16xf32>, vector<16xi1>
      %sub3A_321 = arith.constant 128 : i32
      %sub3A_322 = vector.broadcast %sub3A_321 : i32 to vector<16xi32>
      %sub3A_323 = arith.subi %get3A_314, %sub3A_322 : vector<16xi32>
      %not3A_324 = arith.constant dense<true> : vector<16xi1>
      %not3A_325 = arith.xori %lt3A_320, %not3A_324 : vector<16xi1>
      tpu.vector_store_idx %arg8[%sub3A_323, %add3A_317], %broadcast_in_dim3A_1 masked %not3A_325 : memref<128x256xf32, #tpu.memory_space<vmem>>[vector<16xi32>, vector<16xi32>], vector<16xf32>, vector<16xi1>
      %get3A_326 = arith.constant 80 : index
      %get3A_327 = tpu.vector_load %arg5[%get3A_326] {strides = array<i32>} : memref<256xi32, #tpu.memory_space<vmem>>, vector<16xi32>,
      %add3A_328 = arith.constant 80 : i32
      %add3A_329 = vector.broadcast %add3A_328 : i32 to vector<16xi32>
      %add3A_330 = arith.addi %iota3A, %add3A_329 : vector<16xi32>
      %lt3A_331 = arith.constant 128 : i32
      %lt3A_332 = vector.broadcast %lt3A_331 : i32 to vector<16xi32>
      %lt3A_333 = arith.cmpi slt, %get3A_327, %lt3A_332 : vector<16xi32>
      tpu.vector_store_idx %arg7[%get3A_327, %add3A_330], %broadcast_in_dim3A_1 masked %lt3A_333 : memref<128x256xf32, #tpu.memory_space<vmem>>[vector<16xi32>, vector<16xi32>], vector<16xf32>, vector<16xi1>
      %sub3A_334 = arith.constant 128 : i32
      %sub3A_335 = vector.broadcast %sub3A_334 : i32 to vector<16xi32>
      %sub3A_336 = arith.subi %get3A_327, %sub3A_335 : vector<16xi32>
      %not3A_337 = arith.constant dense<true> : vector<16xi1>
      %not3A_338 = arith.xori %lt3A_333, %not3A_337 : vector<16xi1>
      tpu.vector_store_idx %arg8[%sub3A_336, %add3A_330], %broadcast_in_dim3A_1 masked %not3A_338 : memref<128x256xf32, #tpu.memory_space<vmem>>[vector<16xi32>, vector<16xi32>], vector<16xf32>, vector<16xi1>
      %get3A_339 = arith.constant 96 : index
      %get3A_340 = tpu.vector_load %arg5[%get3A_339] {strides = array<i32>} : memref<256xi32, #tpu.memory_space<vmem>>, vector<16xi32>,
      %add3A_341 = arith.constant 96 : i32
      %add3A_342 = vector.broadcast %add3A_341 : i32 to vector<16xi32>
      %add3A_343 = arith.addi %iota3A, %add3A_342 : vector<16xi32>
      %lt3A_344 = arith.constant 128 : i32
      %lt3A_345 = vector.broadcast %lt3A_344 : i32 to vector<16xi32>
      %lt3A_346 = arith.cmpi slt, %get3A_340, %lt3A_345 : vector<16xi32>
      tpu.vector_store_idx %arg7[%get3A_340, %add3A_343], %broadcast_in_dim3A_1 masked %lt3A_346 : memref<128x256xf32, #tpu.memory_space<vmem>>[vector<16xi32>, vector<16xi32>], vector<16xf32>, vector<16xi1>
      %sub3A_347 = arith.constant 128 : i32
      %sub3A_348 = vector.broadcast %sub3A_347 : i32 to vector<16xi32>
      %sub3A_349 = arith.subi %get3A_340, %sub3A_348 : vector<16xi32>
      %not3A_350 = arith.constant dense<true> : vector<16xi1>
      %not3A_351 = arith.xori %lt3A_346, %not3A_350 : vector<16xi1>
      tpu.vector_store_idx %arg8[%sub3A_349, %add3A_343], %broadcast_in_dim3A_1 masked %not3A_351 : memref<128x256xf32, #tpu.memory_space<vmem>>[vector<16xi32>, vector<16xi32>], vector<16xf32>, vector<16xi1>
      %get3A_352 = arith.constant 112 : index
      %get3A_353 = tpu.vector_load %arg5[%get3A_352] {strides = array<i32>} : memref<256xi32, #tpu.memory_space<vmem>>, vector<16xi32>,
      %add3A_354 = arith.constant 112 : i32
      %add3A_355 = vector.broadcast %add3A_354 : i32 to vector<16xi32>
      %add3A_356 = arith.addi %iota3A, %add3A_355 : vector<16xi32>
      %lt3A_357 = arith.constant 128 : i32
      %lt3A_358 = vector.broadcast %lt3A_357 : i32 to vector<16xi32>
      %lt3A_359 = arith.cmpi slt, %get3A_353, %lt3A_358 : vector<16xi32>
      tpu.vector_store_idx %arg7[%get3A_353, %add3A_356], %broadcast_in_dim3A_1 masked %lt3A_359 : memref<128x256xf32, #tpu.memory_space<vmem>>[vector<16xi32>, vector<16xi32>], vector<16xf32>, vector<16xi1>
      %sub3A_360 = arith.constant 128 : i32
      %sub3A_361 = vector.broadcast %sub3A_360 : i32 to vector<16xi32>
      %sub3A_362 = arith.subi %get3A_353, %sub3A_361 : vector<16xi32>
      %not3A_363 = arith.constant dense<true> : vector<16xi1>
      %not3A_364 = arith.xori %lt3A_359, %not3A_363 : vector<16xi1>
      tpu.vector_store_idx %arg8[%sub3A_362, %add3A_356], %broadcast_in_dim3A_1 masked %not3A_364 : memref<128x256xf32, #tpu.memory_space<vmem>>[vector<16xi32>, vector<16xi32>], vector<16xf32>, vector<16xi1>
      %get3A_365 = arith.constant 128 : index
      %get3A_366 = tpu.vector_load %arg5[%get3A_365] {strides = array<i32>} : memref<256xi32, #tpu.memory_space<vmem>>, vector<16xi32>,
      %add3A_367 = arith.constant 128 : i32
      %add3A_368 = vector.broadcast %add3A_367 : i32 to vector<16xi32>
      %add3A_369 = arith.addi %iota3A, %add3A_368 : vector<16xi32>
      %lt3A_370 = arith.constant 128 : i32
      %lt3A_371 = vector.broadcast %lt3A_370 : i32 to vector<16xi32>
      %lt3A_372 = arith.cmpi slt, %get3A_366, %lt3A_371 : vector<16xi32>
      tpu.vector_store_idx %arg7[%get3A_366, %add3A_369], %broadcast_in_dim3A_1 masked %lt3A_372 : memref<128x256xf32, #tpu.memory_space<vmem>>[vector<16xi32>, vector<16xi32>], vector<16xf32>, vector<16xi1>
      %sub3A_373 = arith.constant 128 : i32
      %sub3A_374 = vector.broadcast %sub3A_373 : i32 to vector<16xi32>
      %sub3A_375 = arith.subi %get3A_366, %sub3A_374 : vector<16xi32>
      %not3A_376 = arith.constant dense<true> : vector<16xi1>
      %not3A_377 = arith.xori %lt3A_372, %not3A_376 : vector<16xi1>
      tpu.vector_store_idx %arg8[%sub3A_375, %add3A_369], %broadcast_in_dim3A_1 masked %not3A_377 : memref<128x256xf32, #tpu.memory_space<vmem>>[vector<16xi32>, vector<16xi32>], vector<16xf32>, vector<16xi1>
      %get3A_378 = arith.constant 144 : index
      %get3A_379 = tpu.vector_load %arg5[%get3A_378] {strides = array<i32>} : memref<256xi32, #tpu.memory_space<vmem>>, vector<16xi32>,
      %add3A_380 = arith.constant 144 : i32
      %add3A_381 = vector.broadcast %add3A_380 : i32 to vector<16xi32>
      %add3A_382 = arith.addi %iota3A, %add3A_381 : vector<16xi32>
      %lt3A_383 = arith.constant 128 : i32
      %lt3A_384 = vector.broadcast %lt3A_383 : i32 to vector<16xi32>
      %lt3A_385 = arith.cmpi slt, %get3A_379, %lt3A_384 : vector<16xi32>
      tpu.vector_store_idx %arg7[%get3A_379, %add3A_382], %broadcast_in_dim3A_1 masked %lt3A_385 : memref<128x256xf32, #tpu.memory_space<vmem>>[vector<16xi32>, vector<16xi32>], vector<16xf32>, vector<16xi1>
      %sub3A_386 = arith.constant 128 : i32
      %sub3A_387 = vector.broadcast %sub3A_386 : i32 to vector<16xi32>
      %sub3A_388 = arith.subi %get3A_379, %sub3A_387 : vector<16xi32>
      %not3A_389 = arith.constant dense<true> : vector<16xi1>
      %not3A_390 = arith.xori %lt3A_385, %not3A_389 : vector<16xi1>
      tpu.vector_store_idx %arg8[%sub3A_388, %add3A_382], %broadcast_in_dim3A_1 masked %not3A_390 : memref<128x256xf32, #tpu.memory_space<vmem>>[vector<16xi32>, vector<16xi32>], vector<16xf32>, vector<16xi1>
      %get3A_391 = arith.constant 160 : index
      %get3A_392 = tpu.vector_load %arg5[%get3A_391] {strides = array<i32>} : memref<256xi32, #tpu.memory_space<vmem>>, vector<16xi32>,
      %add3A_393 = arith.constant 160 : i32
      %add3A_394 = vector.broadcast %add3A_393 : i32 to vector<16xi32>
      %add3A_395 = arith.addi %iota3A, %add3A_394 : vector<16xi32>
      %lt3A_396 = arith.constant 128 : i32
      %lt3A_397 = vector.broadcast %lt3A_396 : i32 to vector<16xi32>
      %lt3A_398 = arith.cmpi slt, %get3A_392, %lt3A_397 : vector<16xi32>
      tpu.vector_store_idx %arg7[%get3A_392, %add3A_395], %broadcast_in_dim3A_1 masked %lt3A_398 : memref<128x256xf32, #tpu.memory_space<vmem>>[vector<16xi32>, vector<16xi32>], vector<16xf32>, vector<16xi1>
      %sub3A_399 = arith.constant 128 : i32
      %sub3A_400 = vector.broadcast %sub3A_399 : i32 to vector<16xi32>
      %sub3A_401 = arith.subi %get3A_392, %sub3A_400 : vector<16xi32>
      %not3A_402 = arith.constant dense<true> : vector<16xi1>
      %not3A_403 = arith.xori %lt3A_398, %not3A_402 : vector<16xi1>
      tpu.vector_store_idx %arg8[%sub3A_401, %add3A_395], %broadcast_in_dim3A_1 masked %not3A_403 : memref<128x256xf32, #tpu.memory_space<vmem>>[vector<16xi32>, vector<16xi32>], vector<16xf32>, vector<16xi1>
      %get3A_404 = arith.constant 176 : index
      %get3A_405 = tpu.vector_load %arg5[%get3A_404] {strides = array<i32>} : memref<256xi32, #tpu.memory_space<vmem>>, vector<16xi32>,
      %add3A_406 = arith.constant 176 : i32
      %add3A_407 = vector.broadcast %add3A_406 : i32 to vector<16xi32>
      %add3A_408 = arith.addi %iota3A, %add3A_407 : vector<16xi32>
      %lt3A_409 = arith.constant 128 : i32
      %lt3A_410 = vector.broadcast %lt3A_409 : i32 to vector<16xi32>
      %lt3A_411 = arith.cmpi slt, %get3A_405, %lt3A_410 : vector<16xi32>
      tpu.vector_store_idx %arg7[%get3A_405, %add3A_408], %broadcast_in_dim3A_1 masked %lt3A_411 : memref<128x256xf32, #tpu.memory_space<vmem>>[vector<16xi32>, vector<16xi32>], vector<16xf32>, vector<16xi1>
      %sub3A_412 = arith.constant 128 : i32
      %sub3A_413 = vector.broadcast %sub3A_412 : i32 to vector<16xi32>
      %sub3A_414 = arith.subi %get3A_405, %sub3A_413 : vector<16xi32>
      %not3A_415 = arith.constant dense<true> : vector<16xi1>
      %not3A_416 = arith.xori %lt3A_411, %not3A_415 : vector<16xi1>
      tpu.vector_store_idx %arg8[%sub3A_414, %add3A_408], %broadcast_in_dim3A_1 masked %not3A_416 : memref<128x256xf32, #tpu.memory_space<vmem>>[vector<16xi32>, vector<16xi32>], vector<16xf32>, vector<16xi1>
      %get3A_417 = arith.constant 192 : index
      %get3A_418 = tpu.vector_load %arg5[%get3A_417] {strides = array<i32>} : memref<256xi32, #tpu.memory_space<vmem>>, vector<16xi32>,
      %add3A_419 = arith.constant 192 : i32
      %add3A_420 = vector.broadcast %add3A_419 : i32 to vector<16xi32>
      %add3A_421 = arith.addi %iota3A, %add3A_420 : vector<16xi32>
      %lt3A_422 = arith.constant 128 : i32
      %lt3A_423 = vector.broadcast %lt3A_422 : i32 to vector<16xi32>
      %lt3A_424 = arith.cmpi slt, %get3A_418, %lt3A_423 : vector<16xi32>
      tpu.vector_store_idx %arg7[%get3A_418, %add3A_421], %broadcast_in_dim3A_1 masked %lt3A_424 : memref<128x256xf32, #tpu.memory_space<vmem>>[vector<16xi32>, vector<16xi32>], vector<16xf32>, vector<16xi1>
      %sub3A_425 = arith.constant 128 : i32
      %sub3A_426 = vector.broadcast %sub3A_425 : i32 to vector<16xi32>
      %sub3A_427 = arith.subi %get3A_418, %sub3A_426 : vector<16xi32>
      %not3A_428 = arith.constant dense<true> : vector<16xi1>
      %not3A_429 = arith.xori %lt3A_424, %not3A_428 : vector<16xi1>
      tpu.vector_store_idx %arg8[%sub3A_427, %add3A_421], %broadcast_in_dim3A_1 masked %not3A_429 : memref<128x256xf32, #tpu.memory_space<vmem>>[vector<16xi32>, vector<16xi32>], vector<16xf32>, vector<16xi1>
      %get3A_430 = arith.constant 208 : index
      %get3A_431 = tpu.vector_load %arg5[%get3A_430] {strides = array<i32>} : memref<256xi32, #tpu.memory_space<vmem>>, vector<16xi32>,
      %add3A_432 = arith.constant 208 : i32
      %add3A_433 = vector.broadcast %add3A_432 : i32 to vector<16xi32>
      %add3A_434 = arith.addi %iota3A, %add3A_433 : vector<16xi32>
      %lt3A_435 = arith.constant 128 : i32
      %lt3A_436 = vector.broadcast %lt3A_435 : i32 to vector<16xi32>
      %lt3A_437 = arith.cmpi slt, %get3A_431, %lt3A_436 : vector<16xi32>
      tpu.vector_store_idx %arg7[%get3A_431, %add3A_434], %broadcast_in_dim3A_1 masked %lt3A_437 : memref<128x256xf32, #tpu.memory_space<vmem>>[vector<16xi32>, vector<16xi32>], vector<16xf32>, vector<16xi1>
      %sub3A_438 = arith.constant 128 : i32
      %sub3A_439 = vector.broadcast %sub3A_438 : i32 to vector<16xi32>
      %sub3A_440 = arith.subi %get3A_431, %sub3A_439 : vector<16xi32>
      %not3A_441 = arith.constant dense<true> : vector<16xi1>
      %not3A_442 = arith.xori %lt3A_437, %not3A_441 : vector<16xi1>
      tpu.vector_store_idx %arg8[%sub3A_440, %add3A_434], %broadcast_in_dim3A_1 masked %not3A_442 : memref<128x256xf32, #tpu.memory_space<vmem>>[vector<16xi32>, vector<16xi32>], vector<16xf32>, vector<16xi1>
      %get3A_443 = arith.constant 224 : index
      %get3A_444 = tpu.vector_load %arg5[%get3A_443] {strides = array<i32>} : memref<256xi32, #tpu.memory_space<vmem>>, vector<16xi32>,
      %add3A_445 = arith.constant 224 : i32
      %add3A_446 = vector.broadcast %add3A_445 : i32 to vector<16xi32>
      %add3A_447 = arith.addi %iota3A, %add3A_446 : vector<16xi32>
      %lt3A_448 = arith.constant 128 : i32
      %lt3A_449 = vector.broadcast %lt3A_448 : i32 to vector<16xi32>
      %lt3A_450 = arith.cmpi slt, %get3A_444, %lt3A_449 : vector<16xi32>
      tpu.vector_store_idx %arg7[%get3A_444, %add3A_447], %broadcast_in_dim3A_1 masked %lt3A_450 : memref<128x256xf32, #tpu.memory_space<vmem>>[vector<16xi32>, vector<16xi32>], vector<16xf32>, vector<16xi1>
      %sub3A_451 = arith.constant 128 : i32
      %sub3A_452 = vector.broadcast %sub3A_451 : i32 to vector<16xi32>
      %sub3A_453 = arith.subi %get3A_444, %sub3A_452 : vector<16xi32>
      %not3A_454 = arith.constant dense<true> : vector<16xi1>
      %not3A_455 = arith.xori %lt3A_450, %not3A_454 : vector<16xi1>
      tpu.vector_store_idx %arg8[%sub3A_453, %add3A_447], %broadcast_in_dim3A_1 masked %not3A_455 : memref<128x256xf32, #tpu.memory_space<vmem>>[vector<16xi32>, vector<16xi32>], vector<16xf32>, vector<16xi1>
      %get3A_456 = arith.constant 240 : index
      %get3A_457 = tpu.vector_load %arg5[%get3A_456] {strides = array<i32>} : memref<256xi32, #tpu.memory_space<vmem>>, vector<16xi32>,
      %add3A_458 = arith.constant 240 : i32
      %add3A_459 = vector.broadcast %add3A_458 : i32 to vector<16xi32>
      %add3A_460 = arith.addi %iota3A, %add3A_459 : vector<16xi32>
      %lt3A_461 = arith.constant 128 : i32
      %lt3A_462 = vector.broadcast %lt3A_461 : i32 to vector<16xi32>
      %lt3A_463 = arith.cmpi slt, %get3A_457, %lt3A_462 : vector<16xi32>
      tpu.vector_store_idx %arg7[%get3A_457, %add3A_460], %broadcast_in_dim3A_1 masked %lt3A_463 : memref<128x256xf32, #tpu.memory_space<vmem>>[vector<16xi32>, vector<16xi32>], vector<16xf32>, vector<16xi1>
      %sub3A_464 = arith.constant 128 : i32
      %sub3A_465 = vector.broadcast %sub3A_464 : i32 to vector<16xi32>
      %sub3A_466 = arith.subi %get3A_457, %sub3A_465 : vector<16xi32>
      %not3A_467 = arith.constant dense<true> : vector<16xi1>
      %not3A_468 = arith.xori %lt3A_463, %not3A_467 : vector<16xi1>
      tpu.vector_store_idx %arg8[%sub3A_466, %add3A_460], %broadcast_in_dim3A_1 masked %not3A_468 : memref<128x256xf32, #tpu.memory_space<vmem>>[vector<16xi32>, vector<16xi32>], vector<16xf32>, vector<16xi1>
      %dma_wait3A_469 = arith.constant 0 : i32
      %dma_wait3A_470 = tpu.memref_slice %arg2[%min3A, %dma_wait3A_469] : memref<512x256xi32, #tpu.memory_space<hbm>> -> memref<1x256xi32, #tpu.memory_space<hbm>>
      %dma_wait3A_471 = tpu.memref_squeeze %dma_wait3A_470 : memref<1x256xi32, #tpu.memory_space<hbm>> -> memref<256xi32, #tpu.memory_space<hbm>>
      %dma_wait3A_472 = arith.constant 0 : i32
      %dma_wait3A_473 = tpu.memref_slice %arg2[%min3A, %dma_wait3A_472] : memref<512x256xi32, #tpu.memory_space<hbm>> -> memref<1x256xi32, #tpu.memory_space<hbm>>
      %dma_wait3A_474 = tpu.memref_squeeze %dma_wait3A_473 : memref<1x256xi32, #tpu.memory_space<hbm>> -> memref<256xi32, #tpu.memory_space<hbm>>
      tpu.wait_dma2 semaphore(%arg10 : memref<!tpu.dma_semaphore, #tpu.memory_space<semaphore_mem>>) src(%dma_wait3A_474 : memref<256xi32, #tpu.memory_space<hbm>>) dst(%arg6 : memref<256xi32, #tpu.memory_space<vmem>>)
      %add3A_475 = arith.constant 1 : i32
      %add3A_476 = arith.addi %add3A_17, %add3A_475 : i32
      %get3A_477 = arith.constant 0 : index
      %get3A_478 = tpu.vector_load %arg6[%get3A_477] {strides = array<i32>} : memref<256xi32, #tpu.memory_space<vmem>>, vector<16xi32>,
      %add3A_479 = arith.constant 0 : i32
      %add3A_480 = vector.broadcast %add3A_479 : i32 to vector<16xi32>
      %add3A_481 = arith.addi %iota3A, %add3A_480 : vector<16xi32>
      %lt3A_482 = arith.constant 128 : i32
      %lt3A_483 = vector.broadcast %lt3A_482 : i32 to vector<16xi32>
      %lt3A_484 = arith.cmpi slt, %get3A_478, %lt3A_483 : vector<16xi32>
      tpu.vector_store_idx %arg7[%get3A_478, %add3A_481], %broadcast_in_dim3A_3 masked %lt3A_484 : memref<128x256xf32, #tpu.memory_space<vmem>>[vector<16xi32>, vector<16xi32>], vector<16xf32>, vector<16xi1>
      %sub3A_485 = arith.constant 128 : i32
      %sub3A_486 = vector.broadcast %sub3A_485 : i32 to vector<16xi32>
      %sub3A_487 = arith.subi %get3A_478, %sub3A_486 : vector<16xi32>
      %not3A_488 = arith.constant dense<true> : vector<16xi1>
      %not3A_489 = arith.xori %lt3A_484, %not3A_488 : vector<16xi1>
      tpu.vector_store_idx %arg8[%sub3A_487, %add3A_481], %broadcast_in_dim3A_3 masked %not3A_489 : memref<128x256xf32, #tpu.memory_space<vmem>>[vector<16xi32>, vector<16xi32>], vector<16xf32>, vector<16xi1>
      %get3A_490 = arith.constant 16 : index
      %get3A_491 = tpu.vector_load %arg6[%get3A_490] {strides = array<i32>} : memref<256xi32, #tpu.memory_space<vmem>>, vector<16xi32>,
      %add3A_492 = arith.constant 16 : i32
      %add3A_493 = vector.broadcast %add3A_492 : i32 to vector<16xi32>
      %add3A_494 = arith.addi %iota3A, %add3A_493 : vector<16xi32>
      %lt3A_495 = arith.constant 128 : i32
      %lt3A_496 = vector.broadcast %lt3A_495 : i32 to vector<16xi32>
      %lt3A_497 = arith.cmpi slt, %get3A_491, %lt3A_496 : vector<16xi32>
      tpu.vector_store_idx %arg7[%get3A_491, %add3A_494], %broadcast_in_dim3A_3 masked %lt3A_497 : memref<128x256xf32, #tpu.memory_space<vmem>>[vector<16xi32>, vector<16xi32>], vector<16xf32>, vector<16xi1>
      %sub3A_498 = arith.constant 128 : i32
      %sub3A_499 = vector.broadcast %sub3A_498 : i32 to vector<16xi32>
      %sub3A_500 = arith.subi %get3A_491, %sub3A_499 : vector<16xi32>
      %not3A_501 = arith.constant dense<true> : vector<16xi1>
      %not3A_502 = arith.xori %lt3A_497, %not3A_501 : vector<16xi1>
      tpu.vector_store_idx %arg8[%sub3A_500, %add3A_494], %broadcast_in_dim3A_3 masked %not3A_502 : memref<128x256xf32, #tpu.memory_space<vmem>>[vector<16xi32>, vector<16xi32>], vector<16xf32>, vector<16xi1>
      %get3A_503 = arith.constant 32 : index
      %get3A_504 = tpu.vector_load %arg6[%get3A_503] {strides = array<i32>} : memref<256xi32, #tpu.memory_space<vmem>>, vector<16xi32>,
      %add3A_505 = arith.constant 32 : i32
      %add3A_506 = vector.broadcast %add3A_505 : i32 to vector<16xi32>
      %add3A_507 = arith.addi %iota3A, %add3A_506 : vector<16xi32>
      %lt3A_508 = arith.constant 128 : i32
      %lt3A_509 = vector.broadcast %lt3A_508 : i32 to vector<16xi32>
      %lt3A_510 = arith.cmpi slt, %get3A_504, %lt3A_509 : vector<16xi32>
      tpu.vector_store_idx %arg7[%get3A_504, %add3A_507], %broadcast_in_dim3A_3 masked %lt3A_510 : memref<128x256xf32, #tpu.memory_space<vmem>>[vector<16xi32>, vector<16xi32>], vector<16xf32>, vector<16xi1>
      %sub3A_511 = arith.constant 128 : i32
      %sub3A_512 = vector.broadcast %sub3A_511 : i32 to vector<16xi32>
      %sub3A_513 = arith.subi %get3A_504, %sub3A_512 : vector<16xi32>
      %not3A_514 = arith.constant dense<true> : vector<16xi1>
      %not3A_515 = arith.xori %lt3A_510, %not3A_514 : vector<16xi1>
      tpu.vector_store_idx %arg8[%sub3A_513, %add3A_507], %broadcast_in_dim3A_3 masked %not3A_515 : memref<128x256xf32, #tpu.memory_space<vmem>>[vector<16xi32>, vector<16xi32>], vector<16xf32>, vector<16xi1>
      %get3A_516 = arith.constant 48 : index
      %get3A_517 = tpu.vector_load %arg6[%get3A_516] {strides = array<i32>} : memref<256xi32, #tpu.memory_space<vmem>>, vector<16xi32>,
      %add3A_518 = arith.constant 48 : i32
      %add3A_519 = vector.broadcast %add3A_518 : i32 to vector<16xi32>
      %add3A_520 = arith.addi %iota3A, %add3A_519 : vector<16xi32>
      %lt3A_521 = arith.constant 128 : i32
      %lt3A_522 = vector.broadcast %lt3A_521 : i32 to vector<16xi32>
      %lt3A_523 = arith.cmpi slt, %get3A_517, %lt3A_522 : vector<16xi32>
      tpu.vector_store_idx %arg7[%get3A_517, %add3A_520], %broadcast_in_dim3A_3 masked %lt3A_523 : memref<128x256xf32, #tpu.memory_space<vmem>>[vector<16xi32>, vector<16xi32>], vector<16xf32>, vector<16xi1>
      %sub3A_524 = arith.constant 128 : i32
      %sub3A_525 = vector.broadcast %sub3A_524 : i32 to vector<16xi32>
      %sub3A_526 = arith.subi %get3A_517, %sub3A_525 : vector<16xi32>
      %not3A_527 = arith.constant dense<true> : vector<16xi1>
      %not3A_528 = arith.xori %lt3A_523, %not3A_527 : vector<16xi1>
      tpu.vector_store_idx %arg8[%sub3A_526, %add3A_520], %broadcast_in_dim3A_3 masked %not3A_528 : memref<128x256xf32, #tpu.memory_space<vmem>>[vector<16xi32>, vector<16xi32>], vector<16xf32>, vector<16xi1>
      %get3A_529 = arith.constant 64 : index
      %get3A_530 = tpu.vector_load %arg6[%get3A_529] {strides = array<i32>} : memref<256xi32, #tpu.memory_space<vmem>>, vector<16xi32>,
      %add3A_531 = arith.constant 64 : i32
      %add3A_532 = vector.broadcast %add3A_531 : i32 to vector<16xi32>
      %add3A_533 = arith.addi %iota3A, %add3A_532 : vector<16xi32>
      %lt3A_534 = arith.constant 128 : i32
      %lt3A_535 = vector.broadcast %lt3A_534 : i32 to vector<16xi32>
      %lt3A_536 = arith.cmpi slt, %get3A_530, %lt3A_535 : vector<16xi32>
      tpu.vector_store_idx %arg7[%get3A_530, %add3A_533], %broadcast_in_dim3A_3 masked %lt3A_536 : memref<128x256xf32, #tpu.memory_space<vmem>>[vector<16xi32>, vector<16xi32>], vector<16xf32>, vector<16xi1>
      %sub3A_537 = arith.constant 128 : i32
      %sub3A_538 = vector.broadcast %sub3A_537 : i32 to vector<16xi32>
      %sub3A_539 = arith.subi %get3A_530, %sub3A_538 : vector<16xi32>
      %not3A_540 = arith.constant dense<true> : vector<16xi1>
      %not3A_541 = arith.xori %lt3A_536, %not3A_540 : vector<16xi1>
      tpu.vector_store_idx %arg8[%sub3A_539, %add3A_533], %broadcast_in_dim3A_3 masked %not3A_541 : memref<128x256xf32, #tpu.memory_space<vmem>>[vector<16xi32>, vector<16xi32>], vector<16xf32>, vector<16xi1>
      %get3A_542 = arith.constant 80 : index
      %get3A_543 = tpu.vector_load %arg6[%get3A_542] {strides = array<i32>} : memref<256xi32, #tpu.memory_space<vmem>>, vector<16xi32>,
      %add3A_544 = arith.constant 80 : i32
      %add3A_545 = vector.broadcast %add3A_544 : i32 to vector<16xi32>
      %add3A_546 = arith.addi %iota3A, %add3A_545 : vector<16xi32>
      %lt3A_547 = arith.constant 128 : i32
      %lt3A_548 = vector.broadcast %lt3A_547 : i32 to vector<16xi32>
      %lt3A_549 = arith.cmpi slt, %get3A_543, %lt3A_548 : vector<16xi32>
      tpu.vector_store_idx %arg7[%get3A_543, %add3A_546], %broadcast_in_dim3A_3 masked %lt3A_549 : memref<128x256xf32, #tpu.memory_space<vmem>>[vector<16xi32>, vector<16xi32>], vector<16xf32>, vector<16xi1>
      %sub3A_550 = arith.constant 128 : i32
      %sub3A_551 = vector.broadcast %sub3A_550 : i32 to vector<16xi32>
      %sub3A_552 = arith.subi %get3A_543, %sub3A_551 : vector<16xi32>
      %not3A_553 = arith.constant dense<true> : vector<16xi1>
      %not3A_554 = arith.xori %lt3A_549, %not3A_553 : vector<16xi1>
      tpu.vector_store_idx %arg8[%sub3A_552, %add3A_546], %broadcast_in_dim3A_3 masked %not3A_554 : memref<128x256xf32, #tpu.memory_space<vmem>>[vector<16xi32>, vector<16xi32>], vector<16xf32>, vector<16xi1>
      %get3A_555 = arith.constant 96 : index
      %get3A_556 = tpu.vector_load %arg6[%get3A_555] {strides = array<i32>} : memref<256xi32, #tpu.memory_space<vmem>>, vector<16xi32>,
      %add3A_557 = arith.constant 96 : i32
      %add3A_558 = vector.broadcast %add3A_557 : i32 to vector<16xi32>
      %add3A_559 = arith.addi %iota3A, %add3A_558 : vector<16xi32>
      %lt3A_560 = arith.constant 128 : i32
      %lt3A_561 = vector.broadcast %lt3A_560 : i32 to vector<16xi32>
      %lt3A_562 = arith.cmpi slt, %get3A_556, %lt3A_561 : vector<16xi32>
      tpu.vector_store_idx %arg7[%get3A_556, %add3A_559], %broadcast_in_dim3A_3 masked %lt3A_562 : memref<128x256xf32, #tpu.memory_space<vmem>>[vector<16xi32>, vector<16xi32>], vector<16xf32>, vector<16xi1>
      %sub3A_563 = arith.constant 128 : i32
      %sub3A_564 = vector.broadcast %sub3A_563 : i32 to vector<16xi32>
      %sub3A_565 = arith.subi %get3A_556, %sub3A_564 : vector<16xi32>
      %not3A_566 = arith.constant dense<true> : vector<16xi1>
      %not3A_567 = arith.xori %lt3A_562, %not3A_566 : vector<16xi1>
      tpu.vector_store_idx %arg8[%sub3A_565, %add3A_559], %broadcast_in_dim3A_3 masked %not3A_567 : memref<128x256xf32, #tpu.memory_space<vmem>>[vector<16xi32>, vector<16xi32>], vector<16xf32>, vector<16xi1>
      %get3A_568 = arith.constant 112 : index
      %get3A_569 = tpu.vector_load %arg6[%get3A_568] {strides = array<i32>} : memref<256xi32, #tpu.memory_space<vmem>>, vector<16xi32>,
      %add3A_570 = arith.constant 112 : i32
      %add3A_571 = vector.broadcast %add3A_570 : i32 to vector<16xi32>
      %add3A_572 = arith.addi %iota3A, %add3A_571 : vector<16xi32>
      %lt3A_573 = arith.constant 128 : i32
      %lt3A_574 = vector.broadcast %lt3A_573 : i32 to vector<16xi32>
      %lt3A_575 = arith.cmpi slt, %get3A_569, %lt3A_574 : vector<16xi32>
      tpu.vector_store_idx %arg7[%get3A_569, %add3A_572], %broadcast_in_dim3A_3 masked %lt3A_575 : memref<128x256xf32, #tpu.memory_space<vmem>>[vector<16xi32>, vector<16xi32>], vector<16xf32>, vector<16xi1>
      %sub3A_576 = arith.constant 128 : i32
      %sub3A_577 = vector.broadcast %sub3A_576 : i32 to vector<16xi32>
      %sub3A_578 = arith.subi %get3A_569, %sub3A_577 : vector<16xi32>
      %not3A_579 = arith.constant dense<true> : vector<16xi1>
      %not3A_580 = arith.xori %lt3A_575, %not3A_579 : vector<16xi1>
      tpu.vector_store_idx %arg8[%sub3A_578, %add3A_572], %broadcast_in_dim3A_3 masked %not3A_580 : memref<128x256xf32, #tpu.memory_space<vmem>>[vector<16xi32>, vector<16xi32>], vector<16xf32>, vector<16xi1>
      %get3A_581 = arith.constant 128 : index
      %get3A_582 = tpu.vector_load %arg6[%get3A_581] {strides = array<i32>} : memref<256xi32, #tpu.memory_space<vmem>>, vector<16xi32>,
      %add3A_583 = arith.constant 128 : i32
      %add3A_584 = vector.broadcast %add3A_583 : i32 to vector<16xi32>
      %add3A_585 = arith.addi %iota3A, %add3A_584 : vector<16xi32>
      %lt3A_586 = arith.constant 128 : i32
      %lt3A_587 = vector.broadcast %lt3A_586 : i32 to vector<16xi32>
      %lt3A_588 = arith.cmpi slt, %get3A_582, %lt3A_587 : vector<16xi32>
      tpu.vector_store_idx %arg7[%get3A_582, %add3A_585], %broadcast_in_dim3A_3 masked %lt3A_588 : memref<128x256xf32, #tpu.memory_space<vmem>>[vector<16xi32>, vector<16xi32>], vector<16xf32>, vector<16xi1>
      %sub3A_589 = arith.constant 128 : i32
      %sub3A_590 = vector.broadcast %sub3A_589 : i32 to vector<16xi32>
      %sub3A_591 = arith.subi %get3A_582, %sub3A_590 : vector<16xi32>
      %not3A_592 = arith.constant dense<true> : vector<16xi1>
      %not3A_593 = arith.xori %lt3A_588, %not3A_592 : vector<16xi1>
      tpu.vector_store_idx %arg8[%sub3A_591, %add3A_585], %broadcast_in_dim3A_3 masked %not3A_593 : memref<128x256xf32, #tpu.memory_space<vmem>>[vector<16xi32>, vector<16xi32>], vector<16xf32>, vector<16xi1>
      %get3A_594 = arith.constant 144 : index
      %get3A_595 = tpu.vector_load %arg6[%get3A_594] {strides = array<i32>} : memref<256xi32, #tpu.memory_space<vmem>>, vector<16xi32>,
      %add3A_596 = arith.constant 144 : i32
      %add3A_597 = vector.broadcast %add3A_596 : i32 to vector<16xi32>
      %add3A_598 = arith.addi %iota3A, %add3A_597 : vector<16xi32>
      %lt3A_599 = arith.constant 128 : i32
      %lt3A_600 = vector.broadcast %lt3A_599 : i32 to vector<16xi32>
      %lt3A_601 = arith.cmpi slt, %get3A_595, %lt3A_600 : vector<16xi32>
      tpu.vector_store_idx %arg7[%get3A_595, %add3A_598], %broadcast_in_dim3A_3 masked %lt3A_601 : memref<128x256xf32, #tpu.memory_space<vmem>>[vector<16xi32>, vector<16xi32>], vector<16xf32>, vector<16xi1>
      %sub3A_602 = arith.constant 128 : i32
      %sub3A_603 = vector.broadcast %sub3A_602 : i32 to vector<16xi32>
      %sub3A_604 = arith.subi %get3A_595, %sub3A_603 : vector<16xi32>
      %not3A_605 = arith.constant dense<true> : vector<16xi1>
      %not3A_606 = arith.xori %lt3A_601, %not3A_605 : vector<16xi1>
      tpu.vector_store_idx %arg8[%sub3A_604, %add3A_598], %broadcast_in_dim3A_3 masked %not3A_606 : memref<128x256xf32, #tpu.memory_space<vmem>>[vector<16xi32>, vector<16xi32>], vector<16xf32>, vector<16xi1>
      %get3A_607 = arith.constant 160 : index
      %get3A_608 = tpu.vector_load %arg6[%get3A_607] {strides = array<i32>} : memref<256xi32, #tpu.memory_space<vmem>>, vector<16xi32>,
      %add3A_609 = arith.constant 160 : i32
      %add3A_610 = vector.broadcast %add3A_609 : i32 to vector<16xi32>
      %add3A_611 = arith.addi %iota3A, %add3A_610 : vector<16xi32>
      %lt3A_612 = arith.constant 128 : i32
      %lt3A_613 = vector.broadcast %lt3A_612 : i32 to vector<16xi32>
      %lt3A_614 = arith.cmpi slt, %get3A_608, %lt3A_613 : vector<16xi32>
      tpu.vector_store_idx %arg7[%get3A_608, %add3A_611], %broadcast_in_dim3A_3 masked %lt3A_614 : memref<128x256xf32, #tpu.memory_space<vmem>>[vector<16xi32>, vector<16xi32>], vector<16xf32>, vector<16xi1>
      %sub3A_615 = arith.constant 128 : i32
      %sub3A_616 = vector.broadcast %sub3A_615 : i32 to vector<16xi32>
      %sub3A_617 = arith.subi %get3A_608, %sub3A_616 : vector<16xi32>
      %not3A_618 = arith.constant dense<true> : vector<16xi1>
      %not3A_619 = arith.xori %lt3A_614, %not3A_618 : vector<16xi1>
      tpu.vector_store_idx %arg8[%sub3A_617, %add3A_611], %broadcast_in_dim3A_3 masked %not3A_619 : memref<128x256xf32, #tpu.memory_space<vmem>>[vector<16xi32>, vector<16xi32>], vector<16xf32>, vector<16xi1>
      %get3A_620 = arith.constant 176 : index
      %get3A_621 = tpu.vector_load %arg6[%get3A_620] {strides = array<i32>} : memref<256xi32, #tpu.memory_space<vmem>>, vector<16xi32>,
      %add3A_622 = arith.constant 176 : i32
      %add3A_623 = vector.broadcast %add3A_622 : i32 to vector<16xi32>
      %add3A_624 = arith.addi %iota3A, %add3A_623 : vector<16xi32>
      %lt3A_625 = arith.constant 128 : i32
      %lt3A_626 = vector.broadcast %lt3A_625 : i32 to vector<16xi32>
      %lt3A_627 = arith.cmpi slt, %get3A_621, %lt3A_626 : vector<16xi32>
      tpu.vector_store_idx %arg7[%get3A_621, %add3A_624], %broadcast_in_dim3A_3 masked %lt3A_627 : memref<128x256xf32, #tpu.memory_space<vmem>>[vector<16xi32>, vector<16xi32>], vector<16xf32>, vector<16xi1>
      %sub3A_628 = arith.constant 128 : i32
      %sub3A_629 = vector.broadcast %sub3A_628 : i32 to vector<16xi32>
      %sub3A_630 = arith.subi %get3A_621, %sub3A_629 : vector<16xi32>
      %not3A_631 = arith.constant dense<true> : vector<16xi1>
      %not3A_632 = arith.xori %lt3A_627, %not3A_631 : vector<16xi1>
      tpu.vector_store_idx %arg8[%sub3A_630, %add3A_624], %broadcast_in_dim3A_3 masked %not3A_632 : memref<128x256xf32, #tpu.memory_space<vmem>>[vector<16xi32>, vector<16xi32>], vector<16xf32>, vector<16xi1>
      %get3A_633 = arith.constant 192 : index
      %get3A_634 = tpu.vector_load %arg6[%get3A_633] {strides = array<i32>} : memref<256xi32, #tpu.memory_space<vmem>>, vector<16xi32>,
      %add3A_635 = arith.constant 192 : i32
      %add3A_636 = vector.broadcast %add3A_635 : i32 to vector<16xi32>
      %add3A_637 = arith.addi %iota3A, %add3A_636 : vector<16xi32>
      %lt3A_638 = arith.constant 128 : i32
      %lt3A_639 = vector.broadcast %lt3A_638 : i32 to vector<16xi32>
      %lt3A_640 = arith.cmpi slt, %get3A_634, %lt3A_639 : vector<16xi32>
      tpu.vector_store_idx %arg7[%get3A_634, %add3A_637], %broadcast_in_dim3A_3 masked %lt3A_640 : memref<128x256xf32, #tpu.memory_space<vmem>>[vector<16xi32>, vector<16xi32>], vector<16xf32>, vector<16xi1>
      %sub3A_641 = arith.constant 128 : i32
      %sub3A_642 = vector.broadcast %sub3A_641 : i32 to vector<16xi32>
      %sub3A_643 = arith.subi %get3A_634, %sub3A_642 : vector<16xi32>
      %not3A_644 = arith.constant dense<true> : vector<16xi1>
      %not3A_645 = arith.xori %lt3A_640, %not3A_644 : vector<16xi1>
      tpu.vector_store_idx %arg8[%sub3A_643, %add3A_637], %broadcast_in_dim3A_3 masked %not3A_645 : memref<128x256xf32, #tpu.memory_space<vmem>>[vector<16xi32>, vector<16xi32>], vector<16xf32>, vector<16xi1>
      %get3A_646 = arith.constant 208 : index
      %get3A_647 = tpu.vector_load %arg6[%get3A_646] {strides = array<i32>} : memref<256xi32, #tpu.memory_space<vmem>>, vector<16xi32>,
      %add3A_648 = arith.constant 208 : i32
      %add3A_649 = vector.broadcast %add3A_648 : i32 to vector<16xi32>
      %add3A_650 = arith.addi %iota3A, %add3A_649 : vector<16xi32>
      %lt3A_651 = arith.constant 128 : i32
      %lt3A_652 = vector.broadcast %lt3A_651 : i32 to vector<16xi32>
      %lt3A_653 = arith.cmpi slt, %get3A_647, %lt3A_652 : vector<16xi32>
      tpu.vector_store_idx %arg7[%get3A_647, %add3A_650], %broadcast_in_dim3A_3 masked %lt3A_653 : memref<128x256xf32, #tpu.memory_space<vmem>>[vector<16xi32>, vector<16xi32>], vector<16xf32>, vector<16xi1>
      %sub3A_654 = arith.constant 128 : i32
      %sub3A_655 = vector.broadcast %sub3A_654 : i32 to vector<16xi32>
      %sub3A_656 = arith.subi %get3A_647, %sub3A_655 : vector<16xi32>
      %not3A_657 = arith.constant dense<true> : vector<16xi1>
      %not3A_658 = arith.xori %lt3A_653, %not3A_657 : vector<16xi1>
      tpu.vector_store_idx %arg8[%sub3A_656, %add3A_650], %broadcast_in_dim3A_3 masked %not3A_658 : memref<128x256xf32, #tpu.memory_space<vmem>>[vector<16xi32>, vector<16xi32>], vector<16xf32>, vector<16xi1>
      %get3A_659 = arith.constant 224 : index
      %get3A_660 = tpu.vector_load %arg6[%get3A_659] {strides = array<i32>} : memref<256xi32, #tpu.memory_space<vmem>>, vector<16xi32>,
      %add3A_661 = arith.constant 224 : i32
      %add3A_662 = vector.broadcast %add3A_661 : i32 to vector<16xi32>
      %add3A_663 = arith.addi %iota3A, %add3A_662 : vector<16xi32>
      %lt3A_664 = arith.constant 128 : i32
      %lt3A_665 = vector.broadcast %lt3A_664 : i32 to vector<16xi32>
      %lt3A_666 = arith.cmpi slt, %get3A_660, %lt3A_665 : vector<16xi32>
      tpu.vector_store_idx %arg7[%get3A_660, %add3A_663], %broadcast_in_dim3A_3 masked %lt3A_666 : memref<128x256xf32, #tpu.memory_space<vmem>>[vector<16xi32>, vector<16xi32>], vector<16xf32>, vector<16xi1>
      %sub3A_667 = arith.constant 128 : i32
      %sub3A_668 = vector.broadcast %sub3A_667 : i32 to vector<16xi32>
      %sub3A_669 = arith.subi %get3A_660, %sub3A_668 : vector<16xi32>
      %not3A_670 = arith.constant dense<true> : vector<16xi1>
      %not3A_671 = arith.xori %lt3A_666, %not3A_670 : vector<16xi1>
      tpu.vector_store_idx %arg8[%sub3A_669, %add3A_663], %broadcast_in_dim3A_3 masked %not3A_671 : memref<128x256xf32, #tpu.memory_space<vmem>>[vector<16xi32>, vector<16xi32>], vector<16xf32>, vector<16xi1>
      %get3A_672 = arith.constant 240 : index
      %get3A_673 = tpu.vector_load %arg6[%get3A_672] {strides = array<i32>} : memref<256xi32, #tpu.memory_space<vmem>>, vector<16xi32>,
      %add3A_674 = arith.constant 240 : i32
      %add3A_675 = vector.broadcast %add3A_674 : i32 to vector<16xi32>
      %add3A_676 = arith.addi %iota3A, %add3A_675 : vector<16xi32>
      %lt3A_677 = arith.constant 128 : i32
      %lt3A_678 = vector.broadcast %lt3A_677 : i32 to vector<16xi32>
      %lt3A_679 = arith.cmpi slt, %get3A_673, %lt3A_678 : vector<16xi32>
      tpu.vector_store_idx %arg7[%get3A_673, %add3A_676], %broadcast_in_dim3A_3 masked %lt3A_679 : memref<128x256xf32, #tpu.memory_space<vmem>>[vector<16xi32>, vector<16xi32>], vector<16xf32>, vector<16xi1>
      %sub3A_680 = arith.constant 128 : i32
      %sub3A_681 = vector.broadcast %sub3A_680 : i32 to vector<16xi32>
      %sub3A_682 = arith.subi %get3A_673, %sub3A_681 : vector<16xi32>
      %not3A_683 = arith.constant dense<true> : vector<16xi1>
      %not3A_684 = arith.xori %lt3A_679, %not3A_683 : vector<16xi1>
      tpu.vector_store_idx %arg8[%sub3A_682, %add3A_676], %broadcast_in_dim3A_3 masked %not3A_684 : memref<128x256xf32, #tpu.memory_space<vmem>>[vector<16xi32>, vector<16xi32>], vector<16xf32>, vector<16xi1>
      %dma_start3A_685 = arith.constant 0 : i32
      %dma_start3A_686 = arith.constant 0 : i32
      %dma_start3A_687 = tpu.memref_slice %arg4[%add3A_476, %dma_start3A_685, %dma_start3A_686] : memref<512x256x256xf32, #tpu.memory_space<hbm>> -> memref<1x128x256xf32, #tpu.memory_space<hbm>>
      %dma_start3A_688 = tpu.memref_squeeze %dma_start3A_687 : memref<1x128x256xf32, #tpu.memory_space<hbm>> -> memref<128x256xf32, #tpu.memory_space<hbm>>
      %dma_start3A_689 = arith.constant 0 : i32
      %dma_start3A_690 = arith.constant 0 : i32
      %dma_start3A_691 = tpu.memref_slice %arg4[%add3A_476, %dma_start3A_689, %dma_start3A_690] : memref<512x256x256xf32, #tpu.memory_space<hbm>> -> memref<1x128x256xf32, #tpu.memory_space<hbm>>
      %dma_start3A_692 = tpu.memref_squeeze %dma_start3A_691 : memref<1x128x256xf32, #tpu.memory_space<hbm>> -> memref<128x256xf32, #tpu.memory_space<hbm>>
      tpu.enqueue_dma source(%arg7 : memref<128x256xf32, #tpu.memory_space<vmem>>) target(%dma_start3A_692 : memref<128x256xf32, #tpu.memory_space<hbm>>) target_semaphore(%arg9 : memref<!tpu.dma_semaphore, #tpu.memory_space<semaphore_mem>>)
      %dma_start3A_693 = arith.constant 128 : i32
      %dma_start3A_694 = arith.constant 0 : i32
      %dma_start3A_695 = tpu.memref_slice %arg4[%add3A_476, %dma_start3A_693, %dma_start3A_694] : memref<512x256x256xf32, #tpu.memory_space<hbm>> -> memref<1x128x256xf32, #tpu.memory_space<hbm>>
      %dma_start3A_696 = tpu.memref_squeeze %dma_start3A_695 : memref<1x128x256xf32, #tpu.memory_space<hbm>> -> memref<128x256xf32, #tpu.memory_space<hbm>>
      %dma_start3A_697 = arith.constant 128 : i32
      %dma_start3A_698 = arith.constant 0 : i32
      %dma_start3A_699 = tpu.memref_slice %arg4[%add3A_476, %dma_start3A_697, %dma_start3A_698] : memref<512x256x256xf32, #tpu.memory_space<hbm>> -> memref<1x128x256xf32, #tpu.memory_space<hbm>>
      %dma_start3A_700 = tpu.memref_squeeze %dma_start3A_699 : memref<1x128x256xf32, #tpu.memory_space<hbm>> -> memref<128x256xf32, #tpu.memory_space<hbm>>
      tpu.enqueue_dma source(%arg8 : memref<128x256xf32, #tpu.memory_space<vmem>>) target(%dma_start3A_700 : memref<128x256xf32, #tpu.memory_space<hbm>>) target_semaphore(%arg9 : memref<!tpu.dma_semaphore, #tpu.memory_space<semaphore_mem>>)
      %add3A_701 = arith.constant 1 : i32
      %add3A_702 = arith.addi %add3A_476, %add3A_701 : i32
      %min3A_703 = arith.minsi %add3A_702, %sub3A_8 : i32
      %dma_start3A_704 = arith.constant 0 : i32
      %dma_start3A_705 = tpu.memref_slice %arg2[%min3A_703, %dma_start3A_704] : memref<512x256xi32, #tpu.memory_space<hbm>> -> memref<1x256xi32, #tpu.memory_space<hbm>>
      %dma_start3A_706 = tpu.memref_squeeze %dma_start3A_705 : memref<1x256xi32, #tpu.memory_space<hbm>> -> memref<256xi32, #tpu.memory_space<hbm>>
      %dma_start3A_707 = arith.constant 0 : i32
      %dma_start3A_708 = tpu.memref_slice %arg2[%min3A_703, %dma_start3A_707] : memref<512x256xi32, #tpu.memory_space<hbm>> -> memref<1x256xi32, #tpu.memory_space<hbm>>
      %dma_start3A_709 = tpu.memref_squeeze %dma_start3A_708 : memref<1x256xi32, #tpu.memory_space<hbm>> -> memref<256xi32, #tpu.memory_space<hbm>>
      tpu.enqueue_dma source(%dma_start3A_709 : memref<256xi32, #tpu.memory_space<hbm>>) target(%arg5 : memref<256xi32, #tpu.memory_space<vmem>>) target_semaphore(%arg10 : memref<!tpu.dma_semaphore, #tpu.memory_space<semaphore_mem>>)
      %dma_wait3A_710 = arith.constant 0 : i32
      %dma_wait3A_711 = arith.constant 0 : i32
      %dma_wait3A_712 = tpu.memref_slice %arg4[%add3A_476, %dma_wait3A_710, %dma_wait3A_711] : memref<512x256x256xf32, #tpu.memory_space<hbm>> -> memref<1x128x256xf32, #tpu.memory_space<hbm>>
      %dma_wait3A_713 = tpu.memref_squeeze %dma_wait3A_712 : memref<1x128x256xf32, #tpu.memory_space<hbm>> -> memref<128x256xf32, #tpu.memory_space<hbm>>
      %dma_wait3A_714 = arith.constant 0 : i32
      %dma_wait3A_715 = arith.constant 0 : i32
      %dma_wait3A_716 = tpu.memref_slice %arg4[%add3A_476, %dma_wait3A_714, %dma_wait3A_715] : memref<512x256x256xf32, #tpu.memory_space<hbm>> -> memref<1x128x256xf32, #tpu.memory_space<hbm>>
      %dma_wait3A_717 = tpu.memref_squeeze %dma_wait3A_716 : memref<1x128x256xf32, #tpu.memory_space<hbm>> -> memref<128x256xf32, #tpu.memory_space<hbm>>
      tpu.wait_dma2 semaphore(%arg9 : memref<!tpu.dma_semaphore, #tpu.memory_space<semaphore_mem>>) src(%arg7 : memref<128x256xf32, #tpu.memory_space<vmem>>) dst(%dma_wait3A_717 : memref<128x256xf32, #tpu.memory_space<hbm>>)
      %dma_wait3A_718 = arith.constant 128 : i32
      %dma_wait3A_719 = arith.constant 0 : i32
      %dma_wait3A_720 = tpu.memref_slice %arg4[%add3A_476, %dma_wait3A_718, %dma_wait3A_719] : memref<512x256x256xf32, #tpu.memory_space<hbm>> -> memref<1x128x256xf32, #tpu.memory_space<hbm>>
      %dma_wait3A_721 = tpu.memref_squeeze %dma_wait3A_720 : memref<1x128x256xf32, #tpu.memory_space<hbm>> -> memref<128x256xf32, #tpu.memory_space<hbm>>
      %dma_wait3A_722 = arith.constant 128 : i32
      %dma_wait3A_723 = arith.constant 0 : i32
      %dma_wait3A_724 = tpu.memref_slice %arg4[%add3A_476, %dma_wait3A_722, %dma_wait3A_723] : memref<512x256x256xf32, #tpu.memory_space<hbm>> -> memref<1x128x256xf32, #tpu.memory_space<hbm>>
      %dma_wait3A_725 = tpu.memref_squeeze %dma_wait3A_724 : memref<1x128x256xf32, #tpu.memory_space<hbm>> -> memref<128x256xf32, #tpu.memory_space<hbm>>
      tpu.wait_dma2 semaphore(%arg9 : memref<!tpu.dma_semaphore, #tpu.memory_space<semaphore_mem>>) src(%arg8 : memref<128x256xf32, #tpu.memory_space<vmem>>) dst(%dma_wait3A_725 : memref<128x256xf32, #tpu.memory_space<hbm>>)
      %get3A_726 = arith.constant 0 : index
      %get3A_727 = tpu.vector_load %arg6[%get3A_726] {strides = array<i32>} : memref<256xi32, #tpu.memory_space<vmem>>, vector<16xi32>,
      %add3A_728 = arith.constant 0 : i32
      %add3A_729 = vector.broadcast %add3A_728 : i32 to vector<16xi32>
      %add3A_730 = arith.addi %iota3A, %add3A_729 : vector<16xi32>
      %lt3A_731 = arith.constant 128 : i32
      %lt3A_732 = vector.broadcast %lt3A_731 : i32 to vector<16xi32>
      %lt3A_733 = arith.cmpi slt, %get3A_727, %lt3A_732 : vector<16xi32>
      tpu.vector_store_idx %arg7[%get3A_727, %add3A_730], %broadcast_in_dim3A_1 masked %lt3A_733 : memref<128x256xf32, #tpu.memory_space<vmem>>[vector<16xi32>, vector<16xi32>], vector<16xf32>, vector<16xi1>
      %sub3A_734 = arith.constant 128 : i32
      %sub3A_735 = vector.broadcast %sub3A_734 : i32 to vector<16xi32>
      %sub3A_736 = arith.subi %get3A_727, %sub3A_735 : vector<16xi32>
      %not3A_737 = arith.constant dense<true> : vector<16xi1>
      %not3A_738 = arith.xori %lt3A_733, %not3A_737 : vector<16xi1>
      tpu.vector_store_idx %arg8[%sub3A_736, %add3A_730], %broadcast_in_dim3A_1 masked %not3A_738 : memref<128x256xf32, #tpu.memory_space<vmem>>[vector<16xi32>, vector<16xi32>], vector<16xf32>, vector<16xi1>
      %get3A_739 = arith.constant 16 : index
      %get3A_740 = tpu.vector_load %arg6[%get3A_739] {strides = array<i32>} : memref<256xi32, #tpu.memory_space<vmem>>, vector<16xi32>,
      %add3A_741 = arith.constant 16 : i32
      %add3A_742 = vector.broadcast %add3A_741 : i32 to vector<16xi32>
      %add3A_743 = arith.addi %iota3A, %add3A_742 : vector<16xi32>
      %lt3A_744 = arith.constant 128 : i32
      %lt3A_745 = vector.broadcast %lt3A_744 : i32 to vector<16xi32>
      %lt3A_746 = arith.cmpi slt, %get3A_740, %lt3A_745 : vector<16xi32>
      tpu.vector_store_idx %arg7[%get3A_740, %add3A_743], %broadcast_in_dim3A_1 masked %lt3A_746 : memref<128x256xf32, #tpu.memory_space<vmem>>[vector<16xi32>, vector<16xi32>], vector<16xf32>, vector<16xi1>
      %sub3A_747 = arith.constant 128 : i32
      %sub3A_748 = vector.broadcast %sub3A_747 : i32 to vector<16xi32>
      %sub3A_749 = arith.subi %get3A_740, %sub3A_748 : vector<16xi32>
      %not3A_750 = arith.constant dense<true> : vector<16xi1>
      %not3A_751 = arith.xori %lt3A_746, %not3A_750 : vector<16xi1>
      tpu.vector_store_idx %arg8[%sub3A_749, %add3A_743], %broadcast_in_dim3A_1 masked %not3A_751 : memref<128x256xf32, #tpu.memory_space<vmem>>[vector<16xi32>, vector<16xi32>], vector<16xf32>, vector<16xi1>
      %get3A_752 = arith.constant 32 : index
      %get3A_753 = tpu.vector_load %arg6[%get3A_752] {strides = array<i32>} : memref<256xi32, #tpu.memory_space<vmem>>, vector<16xi32>,
      %add3A_754 = arith.constant 32 : i32
      %add3A_755 = vector.broadcast %add3A_754 : i32 to vector<16xi32>
      %add3A_756 = arith.addi %iota3A, %add3A_755 : vector<16xi32>
      %lt3A_757 = arith.constant 128 : i32
      %lt3A_758 = vector.broadcast %lt3A_757 : i32 to vector<16xi32>
      %lt3A_759 = arith.cmpi slt, %get3A_753, %lt3A_758 : vector<16xi32>
      tpu.vector_store_idx %arg7[%get3A_753, %add3A_756], %broadcast_in_dim3A_1 masked %lt3A_759 : memref<128x256xf32, #tpu.memory_space<vmem>>[vector<16xi32>, vector<16xi32>], vector<16xf32>, vector<16xi1>
      %sub3A_760 = arith.constant 128 : i32
      %sub3A_761 = vector.broadcast %sub3A_760 : i32 to vector<16xi32>
      %sub3A_762 = arith.subi %get3A_753, %sub3A_761 : vector<16xi32>
      %not3A_763 = arith.constant dense<true> : vector<16xi1>
      %not3A_764 = arith.xori %lt3A_759, %not3A_763 : vector<16xi1>
      tpu.vector_store_idx %arg8[%sub3A_762, %add3A_756], %broadcast_in_dim3A_1 masked %not3A_764 : memref<128x256xf32, #tpu.memory_space<vmem>>[vector<16xi32>, vector<16xi32>], vector<16xf32>, vector<16xi1>
      %get3A_765 = arith.constant 48 : index
      %get3A_766 = tpu.vector_load %arg6[%get3A_765] {strides = array<i32>} : memref<256xi32, #tpu.memory_space<vmem>>, vector<16xi32>,
      %add3A_767 = arith.constant 48 : i32
      %add3A_768 = vector.broadcast %add3A_767 : i32 to vector<16xi32>
      %add3A_769 = arith.addi %iota3A, %add3A_768 : vector<16xi32>
      %lt3A_770 = arith.constant 128 : i32
      %lt3A_771 = vector.broadcast %lt3A_770 : i32 to vector<16xi32>
      %lt3A_772 = arith.cmpi slt, %get3A_766, %lt3A_771 : vector<16xi32>
      tpu.vector_store_idx %arg7[%get3A_766, %add3A_769], %broadcast_in_dim3A_1 masked %lt3A_772 : memref<128x256xf32, #tpu.memory_space<vmem>>[vector<16xi32>, vector<16xi32>], vector<16xf32>, vector<16xi1>
      %sub3A_773 = arith.constant 128 : i32
      %sub3A_774 = vector.broadcast %sub3A_773 : i32 to vector<16xi32>
      %sub3A_775 = arith.subi %get3A_766, %sub3A_774 : vector<16xi32>
      %not3A_776 = arith.constant dense<true> : vector<16xi1>
      %not3A_777 = arith.xori %lt3A_772, %not3A_776 : vector<16xi1>
      tpu.vector_store_idx %arg8[%sub3A_775, %add3A_769], %broadcast_in_dim3A_1 masked %not3A_777 : memref<128x256xf32, #tpu.memory_space<vmem>>[vector<16xi32>, vector<16xi32>], vector<16xf32>, vector<16xi1>
      %get3A_778 = arith.constant 64 : index
      %get3A_779 = tpu.vector_load %arg6[%get3A_778] {strides = array<i32>} : memref<256xi32, #tpu.memory_space<vmem>>, vector<16xi32>,
      %add3A_780 = arith.constant 64 : i32
      %add3A_781 = vector.broadcast %add3A_780 : i32 to vector<16xi32>
      %add3A_782 = arith.addi %iota3A, %add3A_781 : vector<16xi32>
      %lt3A_783 = arith.constant 128 : i32
      %lt3A_784 = vector.broadcast %lt3A_783 : i32 to vector<16xi32>
      %lt3A_785 = arith.cmpi slt, %get3A_779, %lt3A_784 : vector<16xi32>
      tpu.vector_store_idx %arg7[%get3A_779, %add3A_782], %broadcast_in_dim3A_1 masked %lt3A_785 : memref<128x256xf32, #tpu.memory_space<vmem>>[vector<16xi32>, vector<16xi32>], vector<16xf32>, vector<16xi1>
      %sub3A_786 = arith.constant 128 : i32
      %sub3A_787 = vector.broadcast %sub3A_786 : i32 to vector<16xi32>
      %sub3A_788 = arith.subi %get3A_779, %sub3A_787 : vector<16xi32>
      %not3A_789 = arith.constant dense<true> : vector<16xi1>
      %not3A_790 = arith.xori %lt3A_785, %not3A_789 : vector<16xi1>
      tpu.vector_store_idx %arg8[%sub3A_788, %add3A_782], %broadcast_in_dim3A_1 masked %not3A_790 : memref<128x256xf32, #tpu.memory_space<vmem>>[vector<16xi32>, vector<16xi32>], vector<16xf32>, vector<16xi1>
      %get3A_791 = arith.constant 80 : index
      %get3A_792 = tpu.vector_load %arg6[%get3A_791] {strides = array<i32>} : memref<256xi32, #tpu.memory_space<vmem>>, vector<16xi32>,
      %add3A_793 = arith.constant 80 : i32
      %add3A_794 = vector.broadcast %add3A_793 : i32 to vector<16xi32>
      %add3A_795 = arith.addi %iota3A, %add3A_794 : vector<16xi32>
      %lt3A_796 = arith.constant 128 : i32
      %lt3A_797 = vector.broadcast %lt3A_796 : i32 to vector<16xi32>
      %lt3A_798 = arith.cmpi slt, %get3A_792, %lt3A_797 : vector<16xi32>
      tpu.vector_store_idx %arg7[%get3A_792, %add3A_795], %broadcast_in_dim3A_1 masked %lt3A_798 : memref<128x256xf32, #tpu.memory_space<vmem>>[vector<16xi32>, vector<16xi32>], vector<16xf32>, vector<16xi1>
      %sub3A_799 = arith.constant 128 : i32
      %sub3A_800 = vector.broadcast %sub3A_799 : i32 to vector<16xi32>
      %sub3A_801 = arith.subi %get3A_792, %sub3A_800 : vector<16xi32>
      %not3A_802 = arith.constant dense<true> : vector<16xi1>
      %not3A_803 = arith.xori %lt3A_798, %not3A_802 : vector<16xi1>
      tpu.vector_store_idx %arg8[%sub3A_801, %add3A_795], %broadcast_in_dim3A_1 masked %not3A_803 : memref<128x256xf32, #tpu.memory_space<vmem>>[vector<16xi32>, vector<16xi32>], vector<16xf32>, vector<16xi1>
      %get3A_804 = arith.constant 96 : index
      %get3A_805 = tpu.vector_load %arg6[%get3A_804] {strides = array<i32>} : memref<256xi32, #tpu.memory_space<vmem>>, vector<16xi32>,
      %add3A_806 = arith.constant 96 : i32
      %add3A_807 = vector.broadcast %add3A_806 : i32 to vector<16xi32>
      %add3A_808 = arith.addi %iota3A, %add3A_807 : vector<16xi32>
      %lt3A_809 = arith.constant 128 : i32
      %lt3A_810 = vector.broadcast %lt3A_809 : i32 to vector<16xi32>
      %lt3A_811 = arith.cmpi slt, %get3A_805, %lt3A_810 : vector<16xi32>
      tpu.vector_store_idx %arg7[%get3A_805, %add3A_808], %broadcast_in_dim3A_1 masked %lt3A_811 : memref<128x256xf32, #tpu.memory_space<vmem>>[vector<16xi32>, vector<16xi32>], vector<16xf32>, vector<16xi1>
      %sub3A_812 = arith.constant 128 : i32
      %sub3A_813 = vector.broadcast %sub3A_812 : i32 to vector<16xi32>
      %sub3A_814 = arith.subi %get3A_805, %sub3A_813 : vector<16xi32>
      %not3A_815 = arith.constant dense<true> : vector<16xi1>
      %not3A_816 = arith.xori %lt3A_811, %not3A_815 : vector<16xi1>
      tpu.vector_store_idx %arg8[%sub3A_814, %add3A_808], %broadcast_in_dim3A_1 masked %not3A_816 : memref<128x256xf32, #tpu.memory_space<vmem>>[vector<16xi32>, vector<16xi32>], vector<16xf32>, vector<16xi1>
      %get3A_817 = arith.constant 112 : index
      %get3A_818 = tpu.vector_load %arg6[%get3A_817] {strides = array<i32>} : memref<256xi32, #tpu.memory_space<vmem>>, vector<16xi32>,
      %add3A_819 = arith.constant 112 : i32
      %add3A_820 = vector.broadcast %add3A_819 : i32 to vector<16xi32>
      %add3A_821 = arith.addi %iota3A, %add3A_820 : vector<16xi32>
      %lt3A_822 = arith.constant 128 : i32
      %lt3A_823 = vector.broadcast %lt3A_822 : i32 to vector<16xi32>
      %lt3A_824 = arith.cmpi slt, %get3A_818, %lt3A_823 : vector<16xi32>
      tpu.vector_store_idx %arg7[%get3A_818, %add3A_821], %broadcast_in_dim3A_1 masked %lt3A_824 : memref<128x256xf32, #tpu.memory_space<vmem>>[vector<16xi32>, vector<16xi32>], vector<16xf32>, vector<16xi1>
      %sub3A_825 = arith.constant 128 : i32
      %sub3A_826 = vector.broadcast %sub3A_825 : i32 to vector<16xi32>
      %sub3A_827 = arith.subi %get3A_818, %sub3A_826 : vector<16xi32>
      %not3A_828 = arith.constant dense<true> : vector<16xi1>
      %not3A_829 = arith.xori %lt3A_824, %not3A_828 : vector<16xi1>
      tpu.vector_store_idx %arg8[%sub3A_827, %add3A_821], %broadcast_in_dim3A_1 masked %not3A_829 : memref<128x256xf32, #tpu.memory_space<vmem>>[vector<16xi32>, vector<16xi32>], vector<16xf32>, vector<16xi1>
      %get3A_830 = arith.constant 128 : index
      %get3A_831 = tpu.vector_load %arg6[%get3A_830] {strides = array<i32>} : memref<256xi32, #tpu.memory_space<vmem>>, vector<16xi32>,
      %add3A_832 = arith.constant 128 : i32
      %add3A_833 = vector.broadcast %add3A_832 : i32 to vector<16xi32>
      %add3A_834 = arith.addi %iota3A, %add3A_833 : vector<16xi32>
      %lt3A_835 = arith.constant 128 : i32
      %lt3A_836 = vector.broadcast %lt3A_835 : i32 to vector<16xi32>
      %lt3A_837 = arith.cmpi slt, %get3A_831, %lt3A_836 : vector<16xi32>
      tpu.vector_store_idx %arg7[%get3A_831, %add3A_834], %broadcast_in_dim3A_1 masked %lt3A_837 : memref<128x256xf32, #tpu.memory_space<vmem>>[vector<16xi32>, vector<16xi32>], vector<16xf32>, vector<16xi1>
      %sub3A_838 = arith.constant 128 : i32
      %sub3A_839 = vector.broadcast %sub3A_838 : i32 to vector<16xi32>
      %sub3A_840 = arith.subi %get3A_831, %sub3A_839 : vector<16xi32>
      %not3A_841 = arith.constant dense<true> : vector<16xi1>
      %not3A_842 = arith.xori %lt3A_837, %not3A_841 : vector<16xi1>
      tpu.vector_store_idx %arg8[%sub3A_840, %add3A_834], %broadcast_in_dim3A_1 masked %not3A_842 : memref<128x256xf32, #tpu.memory_space<vmem>>[vector<16xi32>, vector<16xi32>], vector<16xf32>, vector<16xi1>
      %get3A_843 = arith.constant 144 : index
      %get3A_844 = tpu.vector_load %arg6[%get3A_843] {strides = array<i32>} : memref<256xi32, #tpu.memory_space<vmem>>, vector<16xi32>,
      %add3A_845 = arith.constant 144 : i32
      %add3A_846 = vector.broadcast %add3A_845 : i32 to vector<16xi32>
      %add3A_847 = arith.addi %iota3A, %add3A_846 : vector<16xi32>
      %lt3A_848 = arith.constant 128 : i32
      %lt3A_849 = vector.broadcast %lt3A_848 : i32 to vector<16xi32>
      %lt3A_850 = arith.cmpi slt, %get3A_844, %lt3A_849 : vector<16xi32>
      tpu.vector_store_idx %arg7[%get3A_844, %add3A_847], %broadcast_in_dim3A_1 masked %lt3A_850 : memref<128x256xf32, #tpu.memory_space<vmem>>[vector<16xi32>, vector<16xi32>], vector<16xf32>, vector<16xi1>
      %sub3A_851 = arith.constant 128 : i32
      %sub3A_852 = vector.broadcast %sub3A_851 : i32 to vector<16xi32>
      %sub3A_853 = arith.subi %get3A_844, %sub3A_852 : vector<16xi32>
      %not3A_854 = arith.constant dense<true> : vector<16xi1>
      %not3A_855 = arith.xori %lt3A_850, %not3A_854 : vector<16xi1>
      tpu.vector_store_idx %arg8[%sub3A_853, %add3A_847], %broadcast_in_dim3A_1 masked %not3A_855 : memref<128x256xf32, #tpu.memory_space<vmem>>[vector<16xi32>, vector<16xi32>], vector<16xf32>, vector<16xi1>
      %get3A_856 = arith.constant 160 : index
      %get3A_857 = tpu.vector_load %arg6[%get3A_856] {strides = array<i32>} : memref<256xi32, #tpu.memory_space<vmem>>, vector<16xi32>,
      %add3A_858 = arith.constant 160 : i32
      %add3A_859 = vector.broadcast %add3A_858 : i32 to vector<16xi32>
      %add3A_860 = arith.addi %iota3A, %add3A_859 : vector<16xi32>
      %lt3A_861 = arith.constant 128 : i32
      %lt3A_862 = vector.broadcast %lt3A_861 : i32 to vector<16xi32>
      %lt3A_863 = arith.cmpi slt, %get3A_857, %lt3A_862 : vector<16xi32>
      tpu.vector_store_idx %arg7[%get3A_857, %add3A_860], %broadcast_in_dim3A_1 masked %lt3A_863 : memref<128x256xf32, #tpu.memory_space<vmem>>[vector<16xi32>, vector<16xi32>], vector<16xf32>, vector<16xi1>
      %sub3A_864 = arith.constant 128 : i32
      %sub3A_865 = vector.broadcast %sub3A_864 : i32 to vector<16xi32>
      %sub3A_866 = arith.subi %get3A_857, %sub3A_865 : vector<16xi32>
      %not3A_867 = arith.constant dense<true> : vector<16xi1>
      %not3A_868 = arith.xori %lt3A_863, %not3A_867 : vector<16xi1>
      tpu.vector_store_idx %arg8[%sub3A_866, %add3A_860], %broadcast_in_dim3A_1 masked %not3A_868 : memref<128x256xf32, #tpu.memory_space<vmem>>[vector<16xi32>, vector<16xi32>], vector<16xf32>, vector<16xi1>
      %get3A_869 = arith.constant 176 : index
      %get3A_870 = tpu.vector_load %arg6[%get3A_869] {strides = array<i32>} : memref<256xi32, #tpu.memory_space<vmem>>, vector<16xi32>,
      %add3A_871 = arith.constant 176 : i32
      %add3A_872 = vector.broadcast %add3A_871 : i32 to vector<16xi32>
      %add3A_873 = arith.addi %iota3A, %add3A_872 : vector<16xi32>
      %lt3A_874 = arith.constant 128 : i32
      %lt3A_875 = vector.broadcast %lt3A_874 : i32 to vector<16xi32>
      %lt3A_876 = arith.cmpi slt, %get3A_870, %lt3A_875 : vector<16xi32>
      tpu.vector_store_idx %arg7[%get3A_870, %add3A_873], %broadcast_in_dim3A_1 masked %lt3A_876 : memref<128x256xf32, #tpu.memory_space<vmem>>[vector<16xi32>, vector<16xi32>], vector<16xf32>, vector<16xi1>
      %sub3A_877 = arith.constant 128 : i32
      %sub3A_878 = vector.broadcast %sub3A_877 : i32 to vector<16xi32>
      %sub3A_879 = arith.subi %get3A_870, %sub3A_878 : vector<16xi32>
      %not3A_880 = arith.constant dense<true> : vector<16xi1>
      %not3A_881 = arith.xori %lt3A_876, %not3A_880 : vector<16xi1>
      tpu.vector_store_idx %arg8[%sub3A_879, %add3A_873], %broadcast_in_dim3A_1 masked %not3A_881 : memref<128x256xf32, #tpu.memory_space<vmem>>[vector<16xi32>, vector<16xi32>], vector<16xf32>, vector<16xi1>
      %get3A_882 = arith.constant 192 : index
      %get3A_883 = tpu.vector_load %arg6[%get3A_882] {strides = array<i32>} : memref<256xi32, #tpu.memory_space<vmem>>, vector<16xi32>,
      %add3A_884 = arith.constant 192 : i32
      %add3A_885 = vector.broadcast %add3A_884 : i32 to vector<16xi32>
      %add3A_886 = arith.addi %iota3A, %add3A_885 : vector<16xi32>
      %lt3A_887 = arith.constant 128 : i32
      %lt3A_888 = vector.broadcast %lt3A_887 : i32 to vector<16xi32>
      %lt3A_889 = arith.cmpi slt, %get3A_883, %lt3A_888 : vector<16xi32>
      tpu.vector_store_idx %arg7[%get3A_883, %add3A_886], %broadcast_in_dim3A_1 masked %lt3A_889 : memref<128x256xf32, #tpu.memory_space<vmem>>[vector<16xi32>, vector<16xi32>], vector<16xf32>, vector<16xi1>
      %sub3A_890 = arith.constant 128 : i32
      %sub3A_891 = vector.broadcast %sub3A_890 : i32 to vector<16xi32>
      %sub3A_892 = arith.subi %get3A_883, %sub3A_891 : vector<16xi32>
      %not3A_893 = arith.constant dense<true> : vector<16xi1>
      %not3A_894 = arith.xori %lt3A_889, %not3A_893 : vector<16xi1>
      tpu.vector_store_idx %arg8[%sub3A_892, %add3A_886], %broadcast_in_dim3A_1 masked %not3A_894 : memref<128x256xf32, #tpu.memory_space<vmem>>[vector<16xi32>, vector<16xi32>], vector<16xf32>, vector<16xi1>
      %get3A_895 = arith.constant 208 : index
      %get3A_896 = tpu.vector_load %arg6[%get3A_895] {strides = array<i32>} : memref<256xi32, #tpu.memory_space<vmem>>, vector<16xi32>,
      %add3A_897 = arith.constant 208 : i32
      %add3A_898 = vector.broadcast %add3A_897 : i32 to vector<16xi32>
      %add3A_899 = arith.addi %iota3A, %add3A_898 : vector<16xi32>
      %lt3A_900 = arith.constant 128 : i32
      %lt3A_901 = vector.broadcast %lt3A_900 : i32 to vector<16xi32>
      %lt3A_902 = arith.cmpi slt, %get3A_896, %lt3A_901 : vector<16xi32>
      tpu.vector_store_idx %arg7[%get3A_896, %add3A_899], %broadcast_in_dim3A_1 masked %lt3A_902 : memref<128x256xf32, #tpu.memory_space<vmem>>[vector<16xi32>, vector<16xi32>], vector<16xf32>, vector<16xi1>
      %sub3A_903 = arith.constant 128 : i32
      %sub3A_904 = vector.broadcast %sub3A_903 : i32 to vector<16xi32>
      %sub3A_905 = arith.subi %get3A_896, %sub3A_904 : vector<16xi32>
      %not3A_906 = arith.constant dense<true> : vector<16xi1>
      %not3A_907 = arith.xori %lt3A_902, %not3A_906 : vector<16xi1>
      tpu.vector_store_idx %arg8[%sub3A_905, %add3A_899], %broadcast_in_dim3A_1 masked %not3A_907 : memref<128x256xf32, #tpu.memory_space<vmem>>[vector<16xi32>, vector<16xi32>], vector<16xf32>, vector<16xi1>
      %get3A_908 = arith.constant 224 : index
      %get3A_909 = tpu.vector_load %arg6[%get3A_908] {strides = array<i32>} : memref<256xi32, #tpu.memory_space<vmem>>, vector<16xi32>,
      %add3A_910 = arith.constant 224 : i32
      %add3A_911 = vector.broadcast %add3A_910 : i32 to vector<16xi32>
      %add3A_912 = arith.addi %iota3A, %add3A_911 : vector<16xi32>
      %lt3A_913 = arith.constant 128 : i32
      %lt3A_914 = vector.broadcast %lt3A_913 : i32 to vector<16xi32>
      %lt3A_915 = arith.cmpi slt, %get3A_909, %lt3A_914 : vector<16xi32>
      tpu.vector_store_idx %arg7[%get3A_909, %add3A_912], %broadcast_in_dim3A_1 masked %lt3A_915 : memref<128x256xf32, #tpu.memory_space<vmem>>[vector<16xi32>, vector<16xi32>], vector<16xf32>, vector<16xi1>
      %sub3A_916 = arith.constant 128 : i32
      %sub3A_917 = vector.broadcast %sub3A_916 : i32 to vector<16xi32>
      %sub3A_918 = arith.subi %get3A_909, %sub3A_917 : vector<16xi32>
      %not3A_919 = arith.constant dense<true> : vector<16xi1>
      %not3A_920 = arith.xori %lt3A_915, %not3A_919 : vector<16xi1>
      tpu.vector_store_idx %arg8[%sub3A_918, %add3A_912], %broadcast_in_dim3A_1 masked %not3A_920 : memref<128x256xf32, #tpu.memory_space<vmem>>[vector<16xi32>, vector<16xi32>], vector<16xf32>, vector<16xi1>
      %get3A_921 = arith.constant 240 : index
      %get3A_922 = tpu.vector_load %arg6[%get3A_921] {strides = array<i32>} : memref<256xi32, #tpu.memory_space<vmem>>, vector<16xi32>,
      %add3A_923 = arith.constant 240 : i32
      %add3A_924 = vector.broadcast %add3A_923 : i32 to vector<16xi32>
      %add3A_925 = arith.addi %iota3A, %add3A_924 : vector<16xi32>
      %lt3A_926 = arith.constant 128 : i32
      %lt3A_927 = vector.broadcast %lt3A_926 : i32 to vector<16xi32>
      %lt3A_928 = arith.cmpi slt, %get3A_922, %lt3A_927 : vector<16xi32>
      tpu.vector_store_idx %arg7[%get3A_922, %add3A_925], %broadcast_in_dim3A_1 masked %lt3A_928 : memref<128x256xf32, #tpu.memory_space<vmem>>[vector<16xi32>, vector<16xi32>], vector<16xf32>, vector<16xi1>
      %sub3A_929 = arith.constant 128 : i32
      %sub3A_930 = vector.broadcast %sub3A_929 : i32 to vector<16xi32>
      %sub3A_931 = arith.subi %get3A_922, %sub3A_930 : vector<16xi32>
      %not3A_932 = arith.constant dense<true> : vector<16xi1>
      %not3A_933 = arith.xori %lt3A_928, %not3A_932 : vector<16xi1>
      tpu.vector_store_idx %arg8[%sub3A_931, %add3A_925], %broadcast_in_dim3A_1 masked %not3A_933 : memref<128x256xf32, #tpu.memory_space<vmem>>[vector<16xi32>, vector<16xi32>], vector<16xf32>, vector<16xi1>
      %dma_wait3A_934 = arith.constant 0 : i32
      %dma_wait3A_935 = tpu.memref_slice %arg2[%min3A_703, %dma_wait3A_934] : memref<512x256xi32, #tpu.memory_space<hbm>> -> memref<1x256xi32, #tpu.memory_space<hbm>>
      %dma_wait3A_936 = tpu.memref_squeeze %dma_wait3A_935 : memref<1x256xi32, #tpu.memory_space<hbm>> -> memref<256xi32, #tpu.memory_space<hbm>>
      %dma_wait3A_937 = arith.constant 0 : i32
      %dma_wait3A_938 = tpu.memref_slice %arg2[%min3A_703, %dma_wait3A_937] : memref<512x256xi32, #tpu.memory_space<hbm>> -> memref<1x256xi32, #tpu.memory_space<hbm>>
      %dma_wait3A_939 = tpu.memref_squeeze %dma_wait3A_938 : memref<1x256xi32, #tpu.memory_space<hbm>> -> memref<256xi32, #tpu.memory_space<hbm>>
      tpu.wait_dma2 semaphore(%arg10 : memref<!tpu.dma_semaphore, #tpu.memory_space<semaphore_mem>>) src(%dma_wait3A_939 : memref<256xi32, #tpu.memory_space<hbm>>) dst(%arg5 : memref<256xi32, #tpu.memory_space<vmem>>)
    }
    %scan3A_13 = arith.constant 8 : i32
    return
  }
}

#map = affine_map<(d0, d1) -> (0, 0)>
#map1 = affine_map<(d0, d1) -> (0, 0, 0)>
module attributes {stable_mosaic.version = 14 : i64} {
  func.func @sc_rows(%arg0: i32, %arg1: i32, %arg2: memref<128x256xf32, #tpu.memory_space<hbm>>, %arg3: memref<512x256x256xf32, #tpu.memory_space<hbm>>, %arg4: memref<256x256xf32, #tpu.memory_space<vmem>>, %arg5: memref<!tpu.dma_semaphore, #tpu.memory_space<semaphore_mem>>) attributes {dimension_semantics = [#tpu.dimension_semantics<core_parallel>, #tpu.dimension_semantics<subcore_parallel>], iteration_bounds = array<i64: 2, 16>, scalar_prefetch = 0 : i64, scratch_operands = 2 : i64, tpu.core_type = #tpu.core_type<sc_vector_subcore>, window_params = [{transform_indices = #map}, {transform_indices = #map1}]} {
    %mul3A = arith.constant 2 : i32
    %mul3A_0 = arith.muli %arg1, %mul3A : i32
    %add3A = arith.addi %mul3A_0, %arg0 : i32
    "tpu.region"() ({
      %run_scoped3A = tpu.sem_alloc : memref<!tpu.dma_semaphore, #tpu.memory_space<semaphore_mem>>
      %dma_start3A = arith.constant 0 : i32
      %dma_start3A_8 = arith.constant 0 : i32
      %dma_start3A_9 = tpu.memref_slice %arg4[%dma_start3A, %dma_start3A_8] : memref<256x256xf32, #tpu.memory_space<vmem>> -> memref<128x256xf32, #tpu.memory_space<vmem>>
      %dma_start3A_10 = arith.constant 0 : i32
      %dma_start3A_11 = arith.constant 0 : i32
      %dma_start3A_12 = tpu.memref_slice %arg4[%dma_start3A_10, %dma_start3A_11] : memref<256x256xf32, #tpu.memory_space<vmem>> -> memref<128x256xf32, #tpu.memory_space<vmem>>
      tpu.enqueue_dma source(%arg2 : memref<128x256xf32, #tpu.memory_space<hbm>>) target(%dma_start3A_12 : memref<128x256xf32, #tpu.memory_space<vmem>>) target_semaphore(%run_scoped3A : memref<!tpu.dma_semaphore, #tpu.memory_space<semaphore_mem>>)
      %dma_wait3A = arith.constant 0 : i32
      %dma_wait3A_13 = arith.constant 0 : i32
      %dma_wait3A_14 = tpu.memref_slice %arg4[%dma_wait3A, %dma_wait3A_13] : memref<256x256xf32, #tpu.memory_space<vmem>> -> memref<128x256xf32, #tpu.memory_space<vmem>>
      %dma_wait3A_15 = arith.constant 0 : i32
      %dma_wait3A_16 = arith.constant 0 : i32
      %dma_wait3A_17 = tpu.memref_slice %arg4[%dma_wait3A_15, %dma_wait3A_16] : memref<256x256xf32, #tpu.memory_space<vmem>> -> memref<128x256xf32, #tpu.memory_space<vmem>>
      tpu.wait_dma2 semaphore(%run_scoped3A : memref<!tpu.dma_semaphore, #tpu.memory_space<semaphore_mem>>) src(%arg2 : memref<128x256xf32, #tpu.memory_space<hbm>>) dst(%dma_wait3A_17 : memref<128x256xf32, #tpu.memory_space<vmem>>)
      tpu.yield
    }) : () -> ()
    "tpu.region"() ({
      %run_scoped3A = tpu.sem_alloc : memref<!tpu.dma_semaphore, #tpu.memory_space<semaphore_mem>>
      %dma_start3A = arith.constant 128 : i32
      %dma_start3A_8 = arith.constant 0 : i32
      %dma_start3A_9 = tpu.memref_slice %arg4[%dma_start3A, %dma_start3A_8] : memref<256x256xf32, #tpu.memory_space<vmem>> -> memref<128x256xf32, #tpu.memory_space<vmem>>
      %dma_start3A_10 = arith.constant 128 : i32
      %dma_start3A_11 = arith.constant 0 : i32
      %dma_start3A_12 = tpu.memref_slice %arg4[%dma_start3A_10, %dma_start3A_11] : memref<256x256xf32, #tpu.memory_space<vmem>> -> memref<128x256xf32, #tpu.memory_space<vmem>>
      tpu.enqueue_dma source(%arg2 : memref<128x256xf32, #tpu.memory_space<hbm>>) target(%dma_start3A_12 : memref<128x256xf32, #tpu.memory_space<vmem>>) target_semaphore(%run_scoped3A : memref<!tpu.dma_semaphore, #tpu.memory_space<semaphore_mem>>)
      %dma_wait3A = arith.constant 128 : i32
      %dma_wait3A_13 = arith.constant 0 : i32
      %dma_wait3A_14 = tpu.memref_slice %arg4[%dma_wait3A, %dma_wait3A_13] : memref<256x256xf32, #tpu.memory_space<vmem>> -> memref<128x256xf32, #tpu.memory_space<vmem>>
      %dma_wait3A_15 = arith.constant 128 : i32
      %dma_wait3A_16 = arith.constant 0 : i32
      %dma_wait3A_17 = tpu.memref_slice %arg4[%dma_wait3A_15, %dma_wait3A_16] : memref<256x256xf32, #tpu.memory_space<vmem>> -> memref<128x256xf32, #tpu.memory_space<vmem>>
      tpu.wait_dma2 semaphore(%run_scoped3A : memref<!tpu.dma_semaphore, #tpu.memory_space<semaphore_mem>>) src(%arg2 : memref<128x256xf32, #tpu.memory_space<hbm>>) dst(%dma_wait3A_17 : memref<128x256xf32, #tpu.memory_space<vmem>>)
      tpu.yield
    }) : () -> ()
    %mul3A_1 = arith.constant 16 : i32
    %mul3A_2 = arith.muli %add3A, %mul3A_1 : i32
    %scan3A = arith.constant 0 : i32
    %scan3A_3 = arith.constant 0 : i32
    %scan3A_4 = arith.constant 16 : i32
    %scan3A_5 = arith.addi %scan3A_3, %scan3A_4 : i32
    %scan3A_6 = arith.constant 1 : i32
    scf.for %scan3A_8 = %scan3A_3 to %scan3A_5 step %scan3A_6  : i32 {
      %add3A_9 = arith.addi %mul3A_2, %scan3A_8 : i32
      "tpu.region"() ({
        %run_scoped3A = tpu.sem_alloc : memref<!tpu.dma_semaphore, #tpu.memory_space<semaphore_mem>>
        %dma_start3A = arith.constant 0 : i32
        %dma_start3A_10 = arith.constant 0 : i32
        %dma_start3A_11 = tpu.memref_slice %arg3[%add3A_9, %dma_start3A, %dma_start3A_10] : memref<512x256x256xf32, #tpu.memory_space<hbm>> -> memref<1x256x256xf32, #tpu.memory_space<hbm>>
        %dma_start3A_12 = tpu.memref_squeeze %dma_start3A_11 : memref<1x256x256xf32, #tpu.memory_space<hbm>> -> memref<256x256xf32, #tpu.memory_space<hbm>>
        %dma_start3A_13 = arith.constant 0 : i32
        %dma_start3A_14 = arith.constant 0 : i32
        %dma_start3A_15 = tpu.memref_slice %arg3[%add3A_9, %dma_start3A_13, %dma_start3A_14] : memref<512x256x256xf32, #tpu.memory_space<hbm>> -> memref<1x256x256xf32, #tpu.memory_space<hbm>>
        %dma_start3A_16 = tpu.memref_squeeze %dma_start3A_15 : memref<1x256x256xf32, #tpu.memory_space<hbm>> -> memref<256x256xf32, #tpu.memory_space<hbm>>
        tpu.enqueue_dma source(%arg4 : memref<256x256xf32, #tpu.memory_space<vmem>>) target(%dma_start3A_16 : memref<256x256xf32, #tpu.memory_space<hbm>>) target_semaphore(%run_scoped3A : memref<!tpu.dma_semaphore, #tpu.memory_space<semaphore_mem>>)
        %dma_wait3A = arith.constant 0 : i32
        %dma_wait3A_17 = arith.constant 0 : i32
        %dma_wait3A_18 = tpu.memref_slice %arg3[%add3A_9, %dma_wait3A, %dma_wait3A_17] : memref<512x256x256xf32, #tpu.memory_space<hbm>> -> memref<1x256x256xf32, #tpu.memory_space<hbm>>
        %dma_wait3A_19 = tpu.memref_squeeze %dma_wait3A_18 : memref<1x256x256xf32, #tpu.memory_space<hbm>> -> memref<256x256xf32, #tpu.memory_space<hbm>>
        %dma_wait3A_20 = arith.constant 0 : i32
        %dma_wait3A_21 = arith.constant 0 : i32
        %dma_wait3A_22 = tpu.memref_slice %arg3[%add3A_9, %dma_wait3A_20, %dma_wait3A_21] : memref<512x256x256xf32, #tpu.memory_space<hbm>> -> memref<1x256x256xf32, #tpu.memory_space<hbm>>
        %dma_wait3A_23 = tpu.memref_squeeze %dma_wait3A_22 : memref<1x256x256xf32, #tpu.memory_space<hbm>> -> memref<256x256xf32, #tpu.memory_space<hbm>>
        tpu.wait_dma2 semaphore(%run_scoped3A : memref<!tpu.dma_semaphore, #tpu.memory_space<semaphore_mem>>) src(%arg4 : memref<256x256xf32, #tpu.memory_space<vmem>>) dst(%dma_wait3A_23 : memref<256x256xf32, #tpu.memory_space<hbm>>)
        tpu.yield
      }) : () -> ()
    }
    %scan3A_7 = arith.constant 16 : i32
    return
  }
}

module attributes {stable_mosaic.version = 14 : i64} {
  func.func @_rank_copy_body(%arg0: i32, %arg1: memref<8x256xf32, #tpu.memory_space<vmem>>, %arg2: memref<8x256x256xf32, #tpu.memory_space<vmem>>, %arg3: memref<8x256xi32, #tpu.memory_space<vmem>>, %arg4: memref<8x256x256xf32, #tpu.memory_space<vmem>>) attributes {dimension_semantics = [#tpu.dimension_semantics<arbitrary>], iteration_bounds = array<i64: 64>, scalar_prefetch = 0 : i64, scratch_operands = 0 : i64, tpu.core_type = #tpu.core_type<tc>, window_params = [{transform_indices = @transform_0, window_bounds = array<i64: 8, 256>}, {transform_indices = @transform_1, window_bounds = array<i64: 8, 256, 256>}, {transform_indices = @transform_2, window_bounds = array<i64: 8, 256>}, {transform_indices = @transform_3, window_bounds = array<i64: 8, 256, 256>}]} {
    %get3A = arith.constant 0 : index
    %get3A_0 = arith.constant 0 : index
    %get3A_1 = vector.load %arg1[%get3A, %get3A_0] : memref<8x256xf32, #tpu.memory_space<vmem>>, vector<8x256xf32>
    %broadcast_in_dim3A = vector.shape_cast %get3A_1 : vector<8x256xf32> to vector<8x256x1xf32>
    %broadcast_in_dim3A_2 = vector.shape_cast %get3A_1 : vector<8x256xf32> to vector<8x1x256xf32>
    %iota3A = tpu.iota {dimensions = array<i32: 1>} : vector<8x256x256xi32>
    %iota3A_3 = tpu.iota {dimensions = array<i32: 2>} : vector<8x256x256xi32>
    %lt3A = arith.cmpi slt, %iota3A, %iota3A_3 : vector<8x256x256xi32>
    %lt3A_4 = vector.broadcast %broadcast_in_dim3A : vector<8x256x1xf32> to vector<8x256x256xf32>
    %lt3A_5 = vector.broadcast %broadcast_in_dim3A_2 : vector<8x1x256xf32> to vector<8x256x256xf32>
    %lt3A_6 = arith.cmpf olt, %lt3A_4, %lt3A_5 : vector<8x256x256xf32>
    %jit3A = arith.constant 1.000000e+00 : f32
    %jit3A_7 = arith.constant 0.000000e+00 : f32
    %broadcast_in_dim3A_8 = vector.broadcast %jit3A : f32 to vector<8x256x256xf32>
    %broadcast_in_dim3A_9 = vector.broadcast %jit3A_7 : f32 to vector<8x256x256xf32>
    %select_n3A = arith.select %lt3A_6, %broadcast_in_dim3A_8, %broadcast_in_dim3A_9 : vector<8x256x256xi1>, vector<8x256x256xf32>
    %eq3A = vector.broadcast %broadcast_in_dim3A : vector<8x256x1xf32> to vector<8x256x256xf32>
    %eq3A_10 = vector.broadcast %broadcast_in_dim3A_2 : vector<8x1x256xf32> to vector<8x256x256xf32>
    %eq3A_11 = arith.cmpf oeq, %eq3A, %eq3A_10 : vector<8x256x256xf32>
    %and3A = arith.andi %eq3A_11, %lt3A : vector<8x256x256xi1>
    %jit3A_12 = arith.constant 1.000000e+00 : f32
    %jit3A_13 = arith.constant 0.000000e+00 : f32
    %broadcast_in_dim3A_14 = vector.broadcast %jit3A_12 : f32 to vector<8x256x256xf32>
    %broadcast_in_dim3A_15 = vector.broadcast %jit3A_13 : f32 to vector<8x256x256xf32>
    %select_n3A_16 = arith.select %and3A, %broadcast_in_dim3A_14, %broadcast_in_dim3A_15 : vector<8x256x256xi1>, vector<8x256x256xf32>
    %add3A = arith.addf %select_n3A, %select_n3A_16 : vector<8x256x256xf32>
    %reduce_sum3A = arith.constant dense<0.000000e+00> : vector<8x256xf32>
    %reduce_sum3A_17 = vector.multi_reduction <add>, %add3A, %reduce_sum3A [1] : vector<8x256x256xf32> to vector<8x256xf32>
    %convert_element_type3A = arith.fptosi %reduce_sum3A_17 : vector<8x256xf32> to vector<8x256xi32>
    %swap3A = arith.constant 0 : index
    %swap3A_18 = arith.constant 0 : index
    %swap3A_19 = vector.load %arg3[%swap3A, %swap3A_18] : memref<8x256xi32, #tpu.memory_space<vmem>>, vector<8x256xi32>
    tpu.vector_store %arg3[%swap3A, %swap3A_18], %convert_element_type3A {strides = array<i32>} : memref<8x256xi32, #tpu.memory_space<vmem>>, vector<8x256xi32>,
    %get3A_20 = arith.constant 0 : index
    %get3A_21 = arith.constant 0 : index
    %get3A_22 = arith.constant 0 : index
    %get3A_23 = vector.load %arg2[%get3A_20, %get3A_21, %get3A_22] : memref<8x256x256xf32, #tpu.memory_space<vmem>>, vector<8x256x256xf32>
    %swap3A_24 = arith.constant 0 : index
    %swap3A_25 = arith.constant 0 : index
    %swap3A_26 = arith.constant 0 : index
    %swap3A_27 = vector.load %arg4[%swap3A_24, %swap3A_25, %swap3A_26] : memref<8x256x256xf32, #tpu.memory_space<vmem>>, vector<8x256x256xf32>
    tpu.vector_store %arg4[%swap3A_24, %swap3A_25, %swap3A_26], %get3A_23 {strides = array<i32>} : memref<8x256x256xf32, #tpu.memory_space<vmem>>, vector<8x256x256xf32>,
    return
  }
  func.func @transform_0(%arg0: i32) -> (i32, i32) {
    %c0_i32 = arith.constant 0 : i32
    %c0_i32_0 = arith.constant 0 : i32
    return %arg0, %c0_i32 : i32, i32
  }
  func.func @transform_1(%arg0: i32) -> (i32, i32, i32) {
    %c0_i32 = arith.constant 0 : i32
    %c0_i32_0 = arith.constant 0 : i32
    %c0_i32_1 = arith.constant 0 : i32
    return %arg0, %c0_i32, %c0_i32_0 : i32, i32, i32
  }
  func.func @transform_2(%arg0: i32) -> (i32, i32) {
    %c0_i32 = arith.constant 0 : i32
    %c0_i32_0 = arith.constant 0 : i32
    return %arg0, %c0_i32 : i32, i32
  }
  func.func @transform_3(%arg0: i32) -> (i32, i32, i32) {
    %c0_i32 = arith.constant 0 : i32
    %c0_i32_0 = arith.constant 0 : i32
    %c0_i32_1 = arith.constant 0 : i32
    return %arg0, %c0_i32, %c0_i32_0 : i32, i32, i32
  }
}

</mosaic_0001>

<sc_bundles>
// kernel: kernel.5.cloned.1.call-start
scs
__scs_entry_jumppad:
0x0: {  	(pc) =	sbr.rel $0x88, $3  }
0x1: {  	(tag) =	ssettag $0x0;
	lr =	simm.s32 $0x1  }
0x2: {  	[smem:$0x3F9F] =	sst lr;
	_ =	strace $0xD0000000  }
0x3: {  	_ = 	snop  }
0x4: {  	_ = 	snop  }
0x5: {  	_ = 	snop  }
0x6: {  	_ = 	snop  }
0x7: {  	_ = 	snop  }
__scs_overlays_trampoline_lowered:
0x8: {  	[smem:$0x3FAE] =	sst s0  }
0x9: {  	[smem:$0x3FAF] =	sst s1  }
0xa: {  	[smem:$0x3FB0] =	sst s2  }
0xb: {  	[smem:$0x3FB1] =	sst s3  }
0xc: {  	[smem:$0x3FB2] =	sst s4  }
0xd: {  	[smem:$0x3FB3] =	sst s5  }
0xe: {  	[smem:$0x3FB4] =	sst s6  }
0xf: {  	[smem:$0x3FB5] =	sst s7  }
0x10: {  	[smem:$0x3FB6] =	sst s8  }
0x11: {  	[smem:$0x3FB7] =	sst s9;
	s0 =	simm.s32 @!p0 $0x0  }
0x12: {  	s1 =	sld [smem:$0x3F9D];
	s0 =	simm.s32 @p0 $0x1  }
0x13: {  	[smem:$0x3FB8] =	sst s0;
	s0 =	simm.s32 @!p1 $0x0  }
0x14: {  	s2 =	sld [smem:$0x3F9C];
	s0 =	simm.s32 @p1 $0x1  }
0x15: {  	[smem:$0x3FB9] =	sst s0;
	s0 =	simm.s32 @!p2 $0x0  }
0x16: {  	s3 =	sld [smem:$0x3FDB];
	s0 =	simm.s32 @p2 $0x1  }
0x17: {  	s4 =	simm.s32 $0x1BF5;
	[smem:$0x3FBB] =	sst s0  }
0x18: {  	s0 =	sld [smem:$0x3F9E];
	_ =	swait.ge [sflag:s4], $0x0  }
0x19: {  	s7 =	sld [smem:$0x3F9F]  }
0x1a: {  	s8 =	sadd.s32 $0xFFFFE003, lr  }
0x1b: {  	s9 =	sadd.s32 $0xFFFFFEF7, lr;
	s5 =	simm.s32 $0xFFFFFFFF;
	p2 =	slt.u32 s8, $0xFFFFF086  }
0x1c: {  	p1 =	slt.u32 s9, $0xF7A;
	s5 =	simm.s32 @!p2 $0x0  }
0x1d: {  	s5 =	simm.s32 @p1 $0x1;
	p0 =	seq.s32 s7, s2  }
0x1e: {  	s7 =	smul.u32 @!p0 $0xF7A, s2;
	p2 =	seq.s32 @!p0 s5, $0x0  }
0x1f: {  	s9 =	smul.u32 $0xF7A, s1;
	s8 =	simm.s32 @!p0 $0x1BF5;
	p2 =	por !p2, p0  }
0x20: {  	[sflag:s8] =	ssyncset.s32 @!p0 $0xFFFFF086;
	s6 =	sadd.s32 @!p0 s3, s7;
	s7 =	simm.s32 @!p0 $0x108  }
0x21: {  	s3 =	sadd.s32 s3, s9;
	s6 =	sadd.s32 @!p0 $0x88, s6;
	s7 =	simm.s32 @p2 $0x1082  }
0x22: {  	[simem:s7], [sflag:s8] =	dma.local @!p0 [hbm:s6], $0xF7A  }
0x23: {  	s9 =	sor.u32 $0xD0000000, s2;
	s6 =	simm.s32 $0x108;
	_ =	swait.ge @!p0 [sflag:s8], $0x0  }
0x24: {  	s3 =	sadd.s32 $0x88, s3;
	s6 =	simm.s32 @!p1 $0x1082;
	[sflag:s4] =	ssyncset.s32 $0xFFFFF086  }
0x25: {  	[simem:s6], [sflag:s4] =	dma.local [hbm:s3], $0xF7A  }
0x26: {  	[smem:$0x3F9F] =	sst s1;
	(tag) =	ssettag s2;
	_ =	strace s9  }
0x27: {  	s1 =	sld [smem:$0x3FAF]  }
0x28: {  	s2 =	sld [smem:$0x3FB0]  }
0x29: {  	s4 =	sld [smem:$0x3FB2]  }
0x2a: {  	p0 =	seq.s32 s5, $0x0;
	s5 =	sld [smem:$0x3FB3]  }
0x2b: {  	s6 =	sld [smem:$0x3FB4]  }
0x2c: {  	s7 =	sld [smem:$0x3FB5]  }
0x2d: {  	s3 =	simm.s32 $0x108;
	s8 =	sld [smem:$0x3FB6]  }
0x2e: {  	s3 =	simm.s32 @!p0 $0x1082;
	s9 =	sld [smem:$0x3FB7]  }
0x2f: {  	lr =	sadd.s32 s0, s3;
	s0 =	sld [smem:$0x3FAE]  }
0x30: {  	s3 =	sld [smem:$0x3FB1]  }
0x31: {  	[smem:$0x3FBA] =	sst s10  }
0x32: {  	s10 =	sld [smem:$0x3FB8];
	_ =	sdelay $0x3  }
0x33: {  	p0 =	seq.s32 s10, $0x1;
	s10 =	sld [smem:$0x3FBA];
	_ =	sdelay $0x3  }
0x34: {  	[smem:$0x3FBA] =	sst s10  }
0x35: {  	s10 =	sld [smem:$0x3FB9];
	_ =	sdelay $0x3  }
0x36: {  	p1 =	seq.s32 s10, $0x1;
	s10 =	sld [smem:$0x3FBA];
	_ =	sdelay $0x3  }
0x37: {  	[smem:$0x3FBA] =	sst s10  }
0x38: {  	s10 =	sld [smem:$0x3FBB]  }
0x39: {  	_ = 	snop;
	(pc) =	sbr.ind lr, $3  }
0x3a: {  	_ = 	snop  }
0x3b: {  	_ = 	snop  }
0x3c: {  	p2 =	seq.s32 s10, $0x1;
	s10 =	sld [smem:$0x3FBA]  }
0x3d: {  	_ =	shalt  }
0x3e: {  	_ =	shalt  }
0x3f: {  	_ =	shalt  }
0x40: {  	_ =	shalt  }
0x41: {  	_ =	shalt  }
0x42: {  	_ =	shalt  }
0x43: {  	_ =	shalt  }
0x44: {  	_ =	shalt  }
0x45: {  	_ =	shalt  }
0x46: {  	_ =	shalt  }
0x47: {  	_ =	shalt  }
0x48: {  	_ =	shalt  }
0x49: {  	_ =	shalt  }
0x4a: {  	_ =	shalt  }
0x4b: {  	_ =	shalt  }
0x4c: {  	_ =	shalt  }
0x4d: {  	_ =	shalt  }
0x4e: {  	_ =	shalt  }
0x4f: {  	_ =	shalt  }
0x50: {  	_ =	shalt  }
0x51: {  	_ =	shalt  }
0x52: {  	_ =	shalt  }
0x53: {  	_ =	shalt  }
0x54: {  	_ =	shalt  }
0x55: {  	_ =	shalt  }
0x56: {  	_ =	shalt  }
0x57: {  	_ =	shalt  }
0x58: {  	_ =	shalt  }
0x59: {  	_ =	shalt  }
0x5a: {  	_ =	shalt  }
0x5b: {  	_ =	shalt  }
0x5c: {  	_ =	shalt  }
0x5d: {  	_ =	shalt  }
0x5e: {  	_ =	shalt  }
0x5f: {  	_ =	shalt  }
0x60: {  	_ =	shalt  }
0x61: {  	_ =	shalt  }
0x62: {  	_ =	shalt  }
0x63: {  	_ =	shalt  }
0x64: {  	_ =	shalt  }
0x65: {  	_ =	shalt  }
0x66: {  	_ =	shalt  }
0x67: {  	_ =	shalt  }
0x68: {  	_ =	shalt  }
0x69: {  	_ =	shalt  }
0x6a: {  	_ =	shalt  }
0x6b: {  	_ =	shalt  }
0x6c: {  	_ =	shalt  }
0x6d: {  	_ =	shalt  }
0x6e: {  	_ =	shalt  }
0x6f: {  	_ =	shalt  }
0x70: {  	_ =	shalt  }
0x71: {  	_ =	shalt  }
0x72: {  	_ =	shalt  }
0x73: {  	_ =	shalt  }
0x74: {  	_ =	shalt  }
0x75: {  	_ =	shalt  }
0x76: {  	_ =	shalt  }
0x77: {  	_ =	shalt  }
0x78: {  	_ =	shalt  }
0x79: {  	_ =	shalt  }
0x7a: {  	_ =	shalt  }
0x7b: {  	_ =	shalt  }
0x7c: {  	_ =	shalt  }
0x7d: {  	_ =	shalt  }
0x7e: {  	_ =	shalt  }
0x7f: {  	_ =	shalt  }
0x80: {  	_ =	shalt  }
0x81: {  	_ =	shalt  }
0x82: {  	_ =	shalt  }
0x83: {  	_ =	shalt  }
0x84: {  	_ =	shalt  }
0x85: {  	_ =	shalt  }
0x86: {  	_ =	shalt  }
0x87: {  	_ =	shalt  }
.Lfunc_end0:
.L_simem_size_0:
called_computation_lowered:
.L_overlay_start_0:
0x88: {  	s2 =	sld [smem:$0x3FD9]  }
0x89: {  	s3 =	sld [smem:$0x3FFE];
	_ =	sdelay $0x1  }
0x8a: {  	s1 =	srdreg.scid  }
0x8b: {  	s0 =	sand.u32 $0x1, s1  }
0x8c: {  	s15 =	sshll.u32 s0, $0xA;
	s2 =	sadd.s32 s3, s2  }
0x8d: {  	s2 =	sadd.s32 s2, s15  }
0x8e: {  	[smem:$0x3FC6] =	sst s2  }
0x8f: {  	_ = 	snop  }
0x90: {  	s2 =	sld [smem:$0x3FD0];
	_ =	sdelay $0x2  }
0x91: {  	s16 =	simm.s32 $0xB;
	s4 =	simm.s32 $0x10  }
0x92: {  	[smem:s4], [sflag:s16] =	dma.local [hbm:s2], $0x1  }
0x93: {  	_ =	swait.eq [sflag:s16], $0x1  }
0x94: {  	[sflag:s16] =	ssyncset.done $0x0  }
0x95: {  	[sflag:s16] =	ssyncadd.s32 $0xFFFFFFFF  }
0x96: {  	s17 =	sld [smem:$0x10];
	(tm) =	ssettm $0x1  }
0x97: {  	s18 =	sld [smem:$0x3FFB];
	_ =	sdelay $0x3  }
0x98: {  	_ =	strace s18  }
0x99: {  	s2 =	sld [smem:$0x3FFC];
	_ =	sdelay $0x3  }
0x9a: {  	_ =	strace s2  }
0x9b: {  	s2 =	sld [smem:$0x3FFD];
	_ =	sdelay $0x3  }
0x9c: {  	_ =	strace s2  }
0x9d: {  	_ =	strace $0x8FFFFFFF  }
0x9e: {  	s19 =	sld [smem:$0x3FDB];
	_ =	sdelay $0x1  }
0x9f: {  	s20 =	simm.s32 $_scs_section_size  }
0xa0: {  	s5 =	simm.s32 $_size__tile_overlayer_lowered;
	s6 =	simm.s32 $_tile_overlayer_lowered  }
0xa1: {  	s7 =	simm.s32 $0x1BFF;
	s21 =	sshll.u32 s6, $0x1;
	s4 =	sadd.s32 s20, s19  }
0xa2: {  	s22 =	simm.s32 $0x0;
	s5 =	sshll.u32 s5, $0x1;
	s6 =	sadd.s32 s21, s4  }
0xa3: {  	[timem:s22], [sflag:s7] =	dma.local [hbm:s6], s5  }
0xa4: {  	_ =	swait.ge [sflag:s7], s5  }
0xa5: {  	s5 =	ssub.s32 $0x0, s5;
	[sflag:s7] =	ssyncset.done $0x0  }
0xa6: {  	[sflag:s7] =	ssyncadd.s32 s5;
	_ =	sdelay $0x1  }
0xa7: {  	s23 =	simm.s32 $0x1B8B  }
0xa8: {  	_ =	swait.ge [sflag:s23], $0x1  }
0xa9: {  	[sflag:s23] =	ssyncset.done $0x0  }
0xaa: {  	[sflag:s23] =	ssyncadd.s32 $0xFFFFFFFF  }
0xab: {  	s5 =	sld [smem:$0x0]  }
0xac: {  	s6 =	sand.u32 $0xFFFFFFFE, s1  }
0xad: {  	p0 =	sne.s32 s1, s6  }
0xae: {  	s6 =	sshll.u32 @p0 s6, $0xE  }
0xaf: {  	s6 =	sadd.s32 @p0 $0x11B8D, s6;
	s7 =	sshll.u32 @p0 s5, $0x11  }
0xb0: {  	s6 =	sor.u32 @p0 s7, s6  }
0xb1: {  	[sflag:s6] =	ssyncadd.remote.s32 @p0 $0x1;
	_ =	sdelay $0x1  }
0xb2: {  	s6 =	simm.s32 @p0 $0x1B8D  }
0xb3: {  	_ =	swait.eq @p0 [sflag:s6], $0x1  }
0xb4: {  	[sflag:s6] =	ssyncadd.s32 @p0 $0xFFFFFFFF  }
0xb5: {  	s7 =	sshll.u32 @!p0 s1, $0xE  }
0xb6: {  	s7 =	sor.u32 @!p0 $0x4000, s7;
	s6 =	simm.s32 @!p0 $0x1B8D  }
0xb7: {  	s5 =	sshll.u32 @!p0 s5, $0x11;
	s7 =	sadd.s32 @!p0 $0x11B8D, s7;
	_ =	swait.eq @!p0 [sflag:s6], $0x1  }
0xb8: {  	s5 =	sor.u32 @!p0 s5, s7;
	[sflag:s6] =	ssyncadd.s32 @!p0 $0xFFFFFFFF  }
0xb9: {  	s25 =	simm.s32 $0x1B8E;
	s24 =	sld [smem:$0x3FFE];
	[sflag:s5] =	ssyncadd.remote.s32 @!p0 $0x1  }
0xba: {  	s26 =	simm.s32 $execute0_lowered;
	[smem:$0x3FD2] =	sst s25  }
0xbb: {  	s6 =	sshll.u32 s26, $0x1;
	_ =	strace $0x80000049;
	[dreg:$0x1] =	wrdreg $0xFFFFFFFF  }
0xbc: {  	s28 =	simm.s32 $_size_execute0_lowered;
	s4 =	sadd.s32 s4, s6;
	[dreg:$0x0] =	wrdreg $0x0  }
0xbd: {  	s6 =	sshll.u32 s28, $0x1;
	[dreg:$0x2] =	wrdreg s4  }
0xbe: {  	[dreg:$0x3] =	wrdreg s6  }
0xbf: {  	[dreg:$0x4] =	wrdreg $0xC0  }
0xc0: {  	_ =	task [dreg:s22], $0x5FFFF  }
0xc1: {  	[dreg:$0x1] =	wrdreg $0xFFFFFFFF  }
0xc2: {  	[dreg:$0x0] =	wrdreg $0x60  }
0xc3: {  	[dreg:$0x2] =	wrdreg s24  }
0xc4: {  	[dreg:$0x3] =	wrdreg s17  }
0xc5: {  	[dreg:$0x4] =	wrdreg $0x9  }
0xc6: {  	_ =	task.clear_ibuf [dreg:s22], $0x5FFFF;
	_ =	strace $0x90000049  }
0xc7: {  	s29 =	simm.s32 $0x9;
	_ =	strace $0x8000004B  }
0xc8: {  	_ =	swait.ge [sflag:s29], $0x1  }
0xc9: {  	[sflag:s29] =	ssyncadd.s32 $0xFFFFFFFF  }
0xca: {  	_ =	strace $0x9000004B  }
0xcb: {  	_ =	sfence  }
0xcc: {  	s30 =	sld [smem:$0x0];
	_ =	sdelay $0x2  }
0xcd: {  	s31 =	sshll.u32 s1, $0xD;
	s1 =	sshrl.u32 s1, $0x2  }
0xce: {  	s4 =	sand.u32 $0x4000, s31;
	s1 =	sadd.s32 s1, s30  }
0xcf: {  	s0 =	sor.u32 s4, s0;
	s1 =	sshll.u32 s1, $0x11  }
0xd0: {  	s0 =	sor.u32 s1, s0  }
0xd1: {  	s0 =	sadd.s32 $0x8F2B, s0  }
0xd2: {  	[sflag:s0] =	ssyncadd.remote.s32 $0x1  }
0xd3: {  	_ =	sfence.sel $0xFFFF  }
0xd4: {  	[dreg:$0x0] =	wrdreg $0xFFFFFFFF;
	(pc) =	sbr.abs _section_cstart, $3  }
0xd5: {  	[dreg:$0x1] =	wrdreg $0xFFFFFFFF  }
0xd6: {  	_ =	task.clear_ibuf [dreg:s22], $0x2FFFF;
	_ =	strace $0x9FFFFFFF  }
0xd7: {  	(tm) =	ssettm $0x7FFFFFFF  }
tec
execute0_lowered:
.L_overlay_start_1:
0x0: {  	(tag) =	ssettag $0x1  }
0x1: {  	s3 =	rddreg [dreg:$0x0]  }
0x2: {  	s4 =	rddreg [dreg:$0x1];
	s1 =	srdreg.scid  }
0x3: {  	s0 =	rddreg [dreg:$0x2];
	s2 =	simm.s32 $0x0;
	s5 =	sand.u32 $0x1, s1  }
0x4: {  	[smem:$0x7FF] =	sst s2;
	s1 =	stileid.u32;
	s3 =	sadd.s32 $0x4E00, s3  }
0x5: {  	s6 =	ssub.s32 $0x2, s5;
	_ =	strace $0x8000004A;
	s8 =	sshll.u32 s1, $0x12  }
0x6: {  	s5 =	sshll.u32 s5, $0x11;
	s7 =	sshrl.u32 s6, $0x1;
	s31 =	sadd.s32 s8, s4  }
0x7: {  	s8 =	simm.s32 $0x0;
	s6 =	ssub.s32 s6, s7;
	s5 =	sadd.s32 s5, s31  }
0x8: {  	s7 =	simm.s32 $0x8000;
	s4 =	smax.u32 s6, $0x1;
	s6 =	simm.s32 $0x1  }
.LBB2_1:
0x9: {  	[tilespmem:s2], [sflag:$0x1] =	stream.linear.gather [hbm4b:s3+s2], $0x8000, $0x38;
	[tilespmem:$0x10000] =	vst v63  }
0xa: {  	_ =	swait.ge [sflag:s6], $0x8000  }
0xb: {  	[sflag:s6] =	ssyncset.done $0x0  }
0xc: {  	[sflag:s6] =	ssyncadd.s32 $0xFFFF8000  }
0xd: {  	[tilespmem:s7], [sflag:$0x1] =	stream.linear.gather [hbm4b:s3+s2], $0x8000, $0x38;
	[tilespmem:$0x10000] =	vst v63  }
0xe: {  	_ =	swait.ge [sflag:s6], $0x8000  }
0xf: {  	[sflag:s6] =	ssyncset.done $0x0  }
0x10: {  	s9 =	sadd.s32 $0x0, s5;
	[sflag:s6] =	ssyncadd.s32 $0xFFFF8000  }
0x11: {  	[hbm4b:s9+s2] =	stream.linear.scatter [tilespmem:s2], [sflag:$0x1], $0x10000, $0x38;
	[tilespmem:$0x10000] =	vst v63  }
0x12: {  	_ =	swait.ge [sflag:s6], $0x10000  }
0x13: {  	s9 =	simm.s32 $0x2000;
	[sflag:s6] =	ssyncset.done $0x0  }
.LBB2_2:
0x14: {  	s10 =	sadd.s32 s9, s5;
	[sflag:s6] =	ssyncadd.s32 $0xFFFF0000;
	p0 =	sne.s32 s9, $0x1E000  }
0x15: {  	[hbm4b:s10+s2] =	stream.linear.scatter [tilespmem:s2], [sflag:$0x1], $0x10000, $0x38;
	[tilespmem:$0x10000] =	vst v63  }
.Ltmp0:
0x16: {  	_ = 	snop;
	(pc) =	sbr.rel @p0 .LBB2_2-.Ltmp0, $4  }
0x17: {  	_ = 	snop  }
0x18: {  	s9 =	sadd.s32 $0x2000, s9  }
0x19: {  	_ =	swait.ge [sflag:s6], $0x10000  }
0x1a: {  	[sflag:s6] =	ssyncset.done $0x0  }
0x1b: {  	s8 =	sadd.s32 $0x1, s8  }
0x1c: {  	p0 =	sne.s32 s8, s4  }
.Ltmp1:
0x1d: {  	_ = 	snop;
	(pc) =	sbr.rel @p0 .LBB2_1-.Ltmp1, $2  }
0x1e: {  	_ =	sdelay $0x2  }
0x1f: {  	[sflag:s6] =	ssyncadd.s32 $0xFFFF0000  }
0x20: {  	_ =	sfence.sel $0x180000  }
0x21: {  	[bflag:$0x0] =	sbarrier.arrive $0xFFFF  }
0x22: {  	p0 =	sne.s32 s1, $0x0;
	_ =	strace $0x9000004A  }
0x23: {  	s0 =	sadd.s32 @!p0 $0x100000, s0;
	[bflag:$0x2] =	sbarrier.arrive $0xFFFF  }
0x24: {  	[sflag:s0] =	ssyncadd.tile.s32 @!p0 $0x1;
	_ =	shalt  }
.Lfunc_end2:
_tile_overlayer_lowered:
.L_overlay_start_2:
0x25: {  	(tag) =	ssettag $0x2  }
0x26: {  	s0 =	rddreg [dreg:$0x0];
	s2 =	stileid.u32  }
0x27: {  	s1 =	rddreg [dreg:$0x1];
	p0 =	sne.s32 s2, $0x0  }
0x28: {  	s3 =	rddreg [dreg:$0x2];
	[bflag:$0x3] =	sbarrier.arrive $0xFFFF;
	s2 =	simm.s32 @!p0 $0x1C01  }
0x29: {  	[timem:s3], [sflag:s2] =	dma.local @!p0 [hbm:s0], s1  }
0x2a: {  	s0 =	simm.s32 @!p0 $0x1  }
0x2b: {  	_ =	swait.ge @!p0 [sflag:s0], s1  }
0x2c: {  	s1 =	ssub.s32 @!p0 $0x0, s1;
	[sflag:s0] =	ssyncset.done @!p0 $0x0  }
0x2d: {  	[sflag:s0] =	ssyncadd.s32 @!p0 s1  }
0x2e: {  	[bflag:$0x3] =	sbarrier.arrive $0xFFFF  }
0x2f: {  	_ =	shalt  }

// kernel: kernel.8.cloned.1.call-start
scs
__scs_entry_jumppad:
0x0: {  	(pc) =	sbr.rel $0x88, $3  }
0x1: {  	(tag) =	ssettag $0x0;
	lr =	simm.s32 $0x1  }
0x2: {  	[smem:$0x3F9F] =	sst lr;
	_ =	strace $0xD0000000  }
0x3: {  	_ = 	snop  }
0x4: {  	_ = 	snop  }
0x5: {  	_ = 	snop  }
0x6: {  	_ = 	snop  }
0x7: {  	_ = 	snop  }
__scs_overlays_trampoline_lowered:
0x8: {  	[smem:$0x3FAE] =	sst s0  }
0x9: {  	[smem:$0x3FAF] =	sst s1  }
0xa: {  	[smem:$0x3FB0] =	sst s2  }
0xb: {  	[smem:$0x3FB1] =	sst s3  }
0xc: {  	[smem:$0x3FB2] =	sst s4  }
0xd: {  	[smem:$0x3FB3] =	sst s5  }
0xe: {  	[smem:$0x3FB4] =	sst s6  }
0xf: {  	[smem:$0x3FB5] =	sst s7  }
0x10: {  	[smem:$0x3FB6] =	sst s8  }
0x11: {  	[smem:$0x3FB7] =	sst s9;
	s0 =	simm.s32 @!p0 $0x0  }
0x12: {  	s1 =	sld [smem:$0x3F9D];
	s0 =	simm.s32 @p0 $0x1  }
0x13: {  	[smem:$0x3FB8] =	sst s0;
	s0 =	simm.s32 @!p1 $0x0  }
0x14: {  	s2 =	sld [smem:$0x3F9C];
	s0 =	simm.s32 @p1 $0x1  }
0x15: {  	[smem:$0x3FB9] =	sst s0;
	s0 =	simm.s32 @!p2 $0x0  }
0x16: {  	s3 =	sld [smem:$0x3FDB];
	s0 =	simm.s32 @p2 $0x1  }
0x17: {  	s4 =	simm.s32 $0x1BF5;
	[smem:$0x3FBB] =	sst s0  }
0x18: {  	s0 =	sld [smem:$0x3F9E];
	_ =	swait.ge [sflag:s4], $0x0  }
0x19: {  	s7 =	sld [smem:$0x3F9F]  }
0x1a: {  	s8 =	sadd.s32 $0xFFFFE003, lr  }
0x1b: {  	s9 =	sadd.s32 $0xFFFFFEF7, lr;
	s5 =	simm.s32 $0xFFFFFFFF;
	p2 =	slt.u32 s8, $0xFFFFF086  }
0x1c: {  	p1 =	slt.u32 s9, $0xF7A;
	s5 =	simm.s32 @!p2 $0x0  }
0x1d: {  	s5 =	simm.s32 @p1 $0x1;
	p0 =	seq.s32 s7, s2  }
0x1e: {  	s7 =	smul.u32 @!p0 $0xF7A, s2;
	p2 =	seq.s32 @!p0 s5, $0x0  }
0x1f: {  	s9 =	smul.u32 $0xF7A, s1;
	s8 =	simm.s32 @!p0 $0x1BF5;
	p2 =	por !p2, p0  }
0x20: {  	[sflag:s8] =	ssyncset.s32 @!p0 $0xFFFFF086;
	s6 =	sadd.s32 @!p0 s3, s7;
	s7 =	simm.s32 @!p0 $0x108  }
0x21: {  	s3 =	sadd.s32 s3, s9;
	s6 =	sadd.s32 @!p0 $0x88, s6;
	s7 =	simm.s32 @p2 $0x1082  }
0x22: {  	[simem:s7], [sflag:s8] =	dma.local @!p0 [hbm:s6], $0xF7A  }
0x23: {  	s9 =	sor.u32 $0xD0000000, s2;
	s6 =	simm.s32 $0x108;
	_ =	swait.ge @!p0 [sflag:s8], $0x0  }
0x24: {  	s3 =	sadd.s32 $0x88, s3;
	s6 =	simm.s32 @!p1 $0x1082;
	[sflag:s4] =	ssyncset.s32 $0xFFFFF086  }
0x25: {  	[simem:s6], [sflag:s4] =	dma.local [hbm:s3], $0xF7A  }
0x26: {  	[smem:$0x3F9F] =	sst s1;
	(tag) =	ssettag s2;
	_ =	strace s9  }
0x27: {  	s1 =	sld [smem:$0x3FAF]  }
0x28: {  	s2 =	sld [smem:$0x3FB0]  }
0x29: {  	s4 =	sld [smem:$0x3FB2]  }
0x2a: {  	p0 =	seq.s32 s5, $0x0;
	s5 =	sld [smem:$0x3FB3]  }
0x2b: {  	s6 =	sld [smem:$0x3FB4]  }
0x2c: {  	s7 =	sld [smem:$0x3FB5]  }
0x2d: {  	s3 =	simm.s32 $0x108;
	s8 =	sld [smem:$0x3FB6]  }
0x2e: {  	s3 =	simm.s32 @!p0 $0x1082;
	s9 =	sld [smem:$0x3FB7]  }
0x2f: {  	lr =	sadd.s32 s0, s3;
	s0 =	sld [smem:$0x3FAE]  }
0x30: {  	s3 =	sld [smem:$0x3FB1]  }
0x31: {  	[smem:$0x3FBA] =	sst s10  }
0x32: {  	s10 =	sld [smem:$0x3FB8];
	_ =	sdelay $0x3  }
0x33: {  	p0 =	seq.s32 s10, $0x1;
	s10 =	sld [smem:$0x3FBA];
	_ =	sdelay $0x3  }
0x34: {  	[smem:$0x3FBA] =	sst s10  }
0x35: {  	s10 =	sld [smem:$0x3FB9];
	_ =	sdelay $0x3  }
0x36: {  	p1 =	seq.s32 s10, $0x1;
	s10 =	sld [smem:$0x3FBA];
	_ =	sdelay $0x3  }
0x37: {  	[smem:$0x3FBA] =	sst s10  }
0x38: {  	s10 =	sld [smem:$0x3FBB]  }
0x39: {  	_ = 	snop;
	(pc) =	sbr.ind lr, $3  }
0x3a: {  	_ = 	snop  }
0x3b: {  	_ = 	snop  }
0x3c: {  	p2 =	seq.s32 s10, $0x1;
	s10 =	sld [smem:$0x3FBA]  }
0x3d: {  	_ =	shalt  }
0x3e: {  	_ =	shalt  }
0x3f: {  	_ =	shalt  }
0x40: {  	_ =	shalt  }
0x41: {  	_ =	shalt  }
0x42: {  	_ =	shalt  }
0x43: {  	_ =	shalt  }
0x44: {  	_ =	shalt  }
0x45: {  	_ =	shalt  }
0x46: {  	_ =	shalt  }
0x47: {  	_ =	shalt  }
0x48: {  	_ =	shalt  }
0x49: {  	_ =	shalt  }
0x4a: {  	_ =	shalt  }
0x4b: {  	_ =	shalt  }
0x4c: {  	_ =	shalt  }
0x4d: {  	_ =	shalt  }
0x4e: {  	_ =	shalt  }
0x4f: {  	_ =	shalt  }
0x50: {  	_ =	shalt  }
0x51: {  	_ =	shalt  }
0x52: {  	_ =	shalt  }
0x53: {  	_ =	shalt  }
0x54: {  	_ =	shalt  }
0x55: {  	_ =	shalt  }
0x56: {  	_ =	shalt  }
0x57: {  	_ =	shalt  }
0x58: {  	_ =	shalt  }
0x59: {  	_ =	shalt  }
0x5a: {  	_ =	shalt  }
0x5b: {  	_ =	shalt  }
0x5c: {  	_ =	shalt  }
0x5d: {  	_ =	shalt  }
0x5e: {  	_ =	shalt  }
0x5f: {  	_ =	shalt  }
0x60: {  	_ =	shalt  }
0x61: {  	_ =	shalt  }
0x62: {  	_ =	shalt  }
0x63: {  	_ =	shalt  }
0x64: {  	_ =	shalt  }
0x65: {  	_ =	shalt  }
0x66: {  	_ =	shalt  }
0x67: {  	_ =	shalt  }
0x68: {  	_ =	shalt  }
0x69: {  	_ =	shalt  }
0x6a: {  	_ =	shalt  }
0x6b: {  	_ =	shalt  }
0x6c: {  	_ =	shalt  }
0x6d: {  	_ =	shalt  }
0x6e: {  	_ =	shalt  }
0x6f: {  	_ =	shalt  }
0x70: {  	_ =	shalt  }
0x71: {  	_ =	shalt  }
0x72: {  	_ =	shalt  }
0x73: {  	_ =	shalt  }
0x74: {  	_ =	shalt  }
0x75: {  	_ =	shalt  }
0x76: {  	_ =	shalt  }
0x77: {  	_ =	shalt  }
0x78: {  	_ =	shalt  }
0x79: {  	_ =	shalt  }
0x7a: {  	_ =	shalt  }
0x7b: {  	_ =	shalt  }
0x7c: {  	_ =	shalt  }
0x7d: {  	_ =	shalt  }
0x7e: {  	_ =	shalt  }
0x7f: {  	_ =	shalt  }
0x80: {  	_ =	shalt  }
0x81: {  	_ =	shalt  }
0x82: {  	_ =	shalt  }
0x83: {  	_ =	shalt  }
0x84: {  	_ =	shalt  }
0x85: {  	_ =	shalt  }
0x86: {  	_ =	shalt  }
0x87: {  	_ =	shalt  }
.Lfunc_end0:
.L_simem_size_0:
called_computation.1_lowered:
.L_overlay_start_0:
0x88: {  	s2 =	sld [smem:$0x3FD9]  }
0x89: {  	s3 =	sld [smem:$0x3FFE];
	_ =	sdelay $0x1  }
0x8a: {  	s1 =	srdreg.scid  }
0x8b: {  	s0 =	sand.u32 $0x1, s1  }
0x8c: {  	s14 =	sshll.u32 s0, $0xA;
	s2 =	sadd.s32 s3, s2  }
0x8d: {  	s2 =	sadd.s32 s2, s14  }
0x8e: {  	[smem:$0x3FC6] =	sst s2  }
0x8f: {  	_ = 	snop  }
0x90: {  	s2 =	sld [smem:$0x3FD0];
	_ =	sdelay $0x2  }
0x91: {  	s15 =	simm.s32 $0xB;
	s4 =	simm.s32 $0x10  }
0x92: {  	[smem:s4], [sflag:s15] =	dma.local [hbm:s2], $0x1  }
0x93: {  	_ =	swait.eq [sflag:s15], $0x1  }
0x94: {  	[sflag:s15] =	ssyncset.done $0x0  }
0x95: {  	[sflag:s15] =	ssyncadd.s32 $0xFFFFFFFF  }
0x96: {  	s16 =	sld [smem:$0x11];
	(tm) =	ssettm $0x1  }
0x97: {  	s17 =	sld [smem:$0x3FFB];
	_ =	sdelay $0x3  }
0x98: {  	_ =	strace s17  }
0x99: {  	s3 =	sld [smem:$0x3FFC];
	_ =	sdelay $0x3  }
0x9a: {  	_ =	strace s3  }
0x9b: {  	s3 =	sld [smem:$0x3FFD];
	_ =	sdelay $0x3  }
0x9c: {  	_ =	strace s3  }
0x9d: {  	_ =	strace $0x8FFFFFFF  }
0x9e: {  	s18 =	sld [smem:$0x3FDB];
	_ =	sdelay $0x1  }
0x9f: {  	s19 =	simm.s32 $_scs_section_size  }
0xa0: {  	s5 =	simm.s32 $_size__tile_overlayer_lowered;
	s6 =	simm.s32 $_tile_overlayer_lowered  }
0xa1: {  	s22 =	simm.s32 $0x1BFF;
	s21 =	sshll.u32 s6, $0x1;
	s3 =	sadd.s32 s19, s18  }
0xa2: {  	s7 =	simm.s32 $0x0;
	s20 =	sshll.u32 s5, $0x1;
	s5 =	sadd.s32 s21, s3  }
0xa3: {  	[timem:s7], [sflag:s22] =	dma.local [hbm:s5], s20  }
0xa4: {  	_ =	swait.ge [sflag:s22], s20  }
0xa5: {  	s4 =	ssub.s32 $0x0, s20;
	[sflag:s22] =	ssyncset.done $0x0  }
0xa6: {  	[sflag:s22] =	ssyncadd.s32 s4;
	_ =	sdelay $0x1  }
0xa7: {  	s23 =	simm.s32 $0x1B8B  }
0xa8: {  	_ =	swait.ge [sflag:s23], $0x1  }
0xa9: {  	[sflag:s23] =	ssyncset.done $0x0  }
0xaa: {  	s25 =	simm.s32 $0x1B8E;
	s24 =	sld [smem:$0x3FFE];
	[sflag:s23] =	ssyncadd.s32 $0xFFFFFFFF  }
0xab: {  	s26 =	simm.s32 $execute0_lowered;
	[smem:$0x3FD2] =	sst s25  }
0xac: {  	s5 =	sshll.u32 s26, $0x1;
	_ =	strace $0x80000046;
	[dreg:$0x1] =	wrdreg $0xFFFFFFFF  }
0xad: {  	s28 =	simm.s32 $_size_execute0_lowered;
	s3 =	sadd.s32 s3, s5;
	[dreg:$0x0] =	wrdreg $0x0  }
0xae: {  	s5 =	sshll.u32 s28, $0x1;
	[dreg:$0x2] =	wrdreg s3  }
0xaf: {  	[dreg:$0x3] =	wrdreg s5  }
0xb0: {  	[dreg:$0x4] =	wrdreg $0xC0  }
0xb1: {  	_ =	task [dreg:s7], $0x5FFFF  }
0xb2: {  	[dreg:$0x1] =	wrdreg $0xFFFFFFFF  }
0xb3: {  	[dreg:$0x0] =	wrdreg $0x60  }
0xb4: {  	[dreg:$0x2] =	wrdreg s24  }
0xb5: {  	[dreg:$0x3] =	wrdreg s16  }
0xb6: {  	[dreg:$0x4] =	wrdreg $0xA  }
0xb7: {  	_ =	task.clear_ibuf [dreg:s7], $0x5FFFF;
	_ =	strace $0x90000046  }
0xb8: {  	s29 =	simm.s32 $0xA;
	_ =	strace $0x80000048  }
0xb9: {  	_ =	swait.ge [sflag:s29], $0x1  }
0xba: {  	[sflag:s29] =	ssyncadd.s32 $0xFFFFFFFF  }
0xbb: {  	_ =	strace $0x90000048  }
0xbc: {  	_ =	sfence  }
0xbd: {  	s30 =	sld [smem:$0x0];
	_ =	sdelay $0x2  }
0xbe: {  	s31 =	sshll.u32 s1, $0xD;
	s1 =	sshrl.u32 s1, $0x2  }
0xbf: {  	s3 =	sand.u32 $0x4000, s31;
	s1 =	sadd.s32 s1, s30  }
0xc0: {  	s0 =	sor.u32 s3, s0;
	s1 =	sshll.u32 s1, $0x11  }
0xc1: {  	s0 =	sor.u32 s1, s0  }
0xc2: {  	s0 =	sadd.s32 $0x8F2B, s0  }
0xc3: {  	[sflag:s0] =	ssyncadd.remote.s32 $0x1  }
0xc4: {  	_ =	sfence.sel $0xFFFF  }
0xc5: {  	[dreg:$0x0] =	wrdreg $0xFFFFFFFF;
	(pc) =	sbr.abs _section_cstart, $3  }
0xc6: {  	[dreg:$0x1] =	wrdreg $0xFFFFFFFF  }
0xc7: {  	_ =	task.clear_ibuf [dreg:s7], $0x2FFFF;
	_ =	strace $0x9FFFFFFF  }
0xc8: {  	(tm) =	ssettm $0x7FFFFFFF  }
0xc9: {  	_ =	shalt  }
tec
execute0_lowered:
.L_overlay_start_1:
0x0: {  	(tag) =	ssettag $0x1  }
0x1: {  	s4 =	rddreg [dreg:$0x0]  }
0x2: {  	s7 =	rddreg [dreg:$0x1];
	v0 =	vlaneseq.u32  }
0x3: {  	s0 =	rddreg [dreg:$0x2];
	s1 =	simm.s32 $0x0;
	s2 =	srdreg.scid;
	v1 =	vimm.f32 $1.000000000e+00;
	v32 =	vimm.f32 $0.0e+00;
	v2 =	vor.u32 $0x10, v0  }
0x4: {  	s12 =	simm.s32 $0x8200;
	s13 =	simm.s32 $0x80;
	s14 =	simm.s32 $0x400;
	v3 =	vor.u32 $0xFFFF8010, v0;
	v4 =	vor.u32 $0x20, v0;
	v5 =	vor.u32 $0xFFFF8020, v0  }
0x5: {  	s15 =	simm.s32 $0x100;
	s16 =	simm.s32 $0x1;
	s17 =	simm.s32 $0x2;
	v6 =	vor.u32 $0x30, v0;
	v7 =	vor.u32 $0xFFFF8030, v0;
	v8 =	vor.u32 $0x40, v0  }
0x6: {  	s18 =	simm.s32 $0x0;
	[smem:$0x7FF] =	sst s1;
	s8 =	sand.u32 $0x1, s2;
	v9 =	vor.u32 $0xFFFF8040, v0;
	v10 =	vor.u32 $0x50, v0;
	v11 =	vor.u32 $0xFFFF8050, v0  }
0x7: {  	s3 =	sadd.s32 $0xE00, s4;
	s2 =	stileid.u32;
	v12 =	vor.u32 $0x60, v0;
	s4 =	sadd.s32 $0x4E00, s4;
	v13 =	vor.u32 $0xFFFF8060, v0;
	v14 =	vor.u32 $0x70, v0  }
0x8: {  	v15 =	vor.u32 $0xFFFF8070, v0;
	v16 =	vor.u32 $0x400, v0;
	v17 =	vor.u32 $0xFFFF8400, v0;
	_ =	strace $0x80000047;
	s5 =	ssub.s32 $0x2, s8;
	s9 =	sshll.u32 s2, $0x5  }
0x9: {  	v18 =	vor.u32 $0x410, v0;
	v19 =	vor.u32 $0xFFFF8410, v0;
	v20 =	vor.u32 $0x420, v0;
	s10 =	sshll.u32 s8, $0x4;
	s31 =	sshll.u32 s2, $0x12;
	s8 =	sshll.u32 s8, $0x11  }
0xa: {  	v21 =	vor.u32 $0xFFFF8420, v0;
	v22 =	vor.u32 $0x430, v0;
	v23 =	vor.u32 $0xFFFF8430, v0;
	s6 =	sshrl.u32 s5, $0x1;
	s9 =	sor.u32 s10, s9;
	s10 =	sadd.s32 s31, s7  }
0xb: {  	v24 =	vor.u32 $0x440, v0;
	v25 =	vor.u32 $0xFFFF8440, v0;
	v26 =	vor.u32 $0x450, v0;
	s11 =	ssub.s32 s5, s6;
	s5 =	sor.u32 $0xF, s9;
	s30 =	sshll.u32 s9, $0x5  }
0xc: {  	v27 =	vor.u32 $0xFFFF8450, v0;
	v28 =	vor.u32 $0x460, v0;
	v29 =	vor.u32 $0xFFFF8460, v0;
	s8 =	sadd.s32 s8, s10;
	s9 =	sor.u32 $0x1, s9;
	s10 =	simm.s32 $0x200  }
0xd: {  	v30 =	vor.u32 $0x470, v0;
	v31 =	vor.u32 $0xFFFF8470, v0;
	v33 =	vor.u32 $0xFFFF8000, v0;
	s6 =	sadd.s32 s3, s30;
	s7 =	smax.u32 s11, $0x1;
	s11 =	simm.s32 $0x3  }
.LBB2_1:
0xe: {  	[tilespmem:s10], [sflag:$0x3] =	stream.linear.gather [hbm4b:s4+s1], $0x8000, $0x38;
	[tilespmem:$0x10200] =	vst v63  }
0xf: {  	_ =	swait.ge [sflag:s11], $0x8000  }
0x10: {  	[sflag:s11] =	ssyncset.done $0x0  }
0x11: {  	[sflag:s11] =	ssyncadd.s32 $0xFFFF8000  }
0x12: {  	[tilespmem:s12], [sflag:$0x3] =	stream.linear.gather [hbm4b:s4+s1], $0x8000, $0x38;
	[tilespmem:$0x10200] =	vst v63  }
0x13: {  	_ =	swait.ge [sflag:s11], $0x8000  }
0x14: {  	[sflag:s11] =	ssyncset.done $0x0  }
0x15: {  	[sflag:s11] =	ssyncadd.s32 $0xFFFF8000  }
0x16: {  	[tilespmem:s1], [sflag:$0x3] =	stream.strided.gather [hbm4b:s6+s13], $0x100, s14, s13, $0x38;
	[tilespmem:$0x10200] =	vst v63  }
0x17: {  	_ =	swait.ge [sflag:s11], $0x100  }
0x18: {  	[sflag:s11] =	ssyncset.done $0x0  }
0x19: {  	s19 =	smov.u32 s9;
	s20 =	simm.s32 $0x0;
	[sflag:s11] =	ssyncadd.s32 $0xFFFFFF00  }
.LBB2_2:
0x1a: {  	v34 =	vld [tilespmem:$0x0];
	_ =	sdelay $0x4  }
0x1b: {  	v35 =	vshll.u32 v34, $0x8;
	v36 =	vshll.u32 v34, $0x7  }
0x1c: {  	v35 =	vand.u32 $0xFFFFF800, v35;
	v36 =	vand.u32 $0x380, v36  }
0x1d: {  	vm0 =	vlt.s32 v34, $0x80;
	v35 =	vor.u32 v35, v36  }
0x1e: {  	vm1 =	vge.s32 v34, $0x80;
	v43 =	vor.u32 v0, v35  }
0x1f: {  	v35 =	vadd.s32 $0xFFFF8000, v43;
	_ =	sdelay $0x3  }
0x20: {  	[tilespmem:v43+s10+$0x0] =	vst.idx.msk vm0, v1  }
0x21: {  	[tilespmem:v35+s12+$0x0] =	vst.idx.msk vm1, v1  }
0x22: {  	v34 =	vld [tilespmem:$0x10];
	_ =	sdelay $0x4  }
0x23: {  	v44 =	vshll.u32 v34, $0x8;
	v45 =	vshll.u32 v34, $0x7  }
0x24: {  	v35 =	vand.u32 $0xFFFFF800, v44;
	v36 =	vand.u32 $0x380, v45  }
0x25: {  	vm10 =	vlt.s32 v34, $0x80;
	v35 =	vor.u32 v35, v36  }
0x26: {  	vm11 =	vge.s32 v34, $0x80;
	v46 =	vor.u32 v2, v35  }
0x27: {  	v35 =	vadd.s32 v3, v35;
	_ =	sdelay $0x3  }
0x28: {  	[tilespmem:v46+s10+$0x0] =	vst.idx.msk vm10, v1  }
0x29: {  	[tilespmem:v35+s12+$0x0] =	vst.idx.msk vm11, v1  }
0x2a: {  	v34 =	vld [tilespmem:$0x20];
	_ =	sdelay $0x4  }
0x2b: {  	v47 =	vshll.u32 v34, $0x8;
	v48 =	vshll.u32 v34, $0x7  }
0x2c: {  	v35 =	vand.u32 $0xFFFFF800, v47;
	v36 =	vand.u32 $0x380, v48  }
0x2d: {  	vm12 =	vlt.s32 v34, $0x80;
	v35 =	vor.u32 v35, v36  }
0x2e: {  	vm13 =	vge.s32 v34, $0x80;
	v49 =	vor.u32 v4, v35  }
0x2f: {  	v35 =	vadd.s32 v5, v35;
	_ =	sdelay $0x3  }
0x30: {  	[tilespmem:v49+s10+$0x0] =	vst.idx.msk vm12, v1  }
0x31: {  	[tilespmem:v35+s12+$0x0] =	vst.idx.msk vm13, v1  }
0x32: {  	v34 =	vld [tilespmem:$0x30];
	_ =	sdelay $0x4  }
0x33: {  	v50 =	vshll.u32 v34, $0x8;
	v51 =	vshll.u32 v34, $0x7  }
0x34: {  	v35 =	vand.u32 $0xFFFFF800, v50;
	v36 =	vand.u32 $0x380, v51  }
0x35: {  	vm14 =	vlt.s32 v34, $0x80;
	v35 =	vor.u32 v35, v36  }
0x36: {  	vm15 =	vge.s32 v34, $0x80;
	v52 =	vor.u32 v6, v35  }
0x37: {  	v35 =	vadd.s32 v7, v35;
	_ =	sdelay $0x3  }
0x38: {  	[tilespmem:v52+s10+$0x0] =	vst.idx.msk vm14, v1  }
0x39: {  	[tilespmem:v35+s12+$0x0] =	vst.idx.msk vm15, v1  }
0x3a: {  	v34 =	vld [tilespmem:$0x40];
	_ =	sdelay $0x4  }
0x3b: {  	v53 =	vshll.u32 v34, $0x8;
	v54 =	vshll.u32 v34, $0x7  }
0x3c: {  	v35 =	vand.u32 $0xFFFFF800, v53;
	v36 =	vand.u32 $0x380, v54  }
0x3d: {  	vm4 =	vlt.s32 v34, $0x80;
	v35 =	vor.u32 v35, v36  }
0x3e: {  	vm5 =	vge.s32 v34, $0x80;
	v55 =	vor.u32 v8, v35  }
0x3f: {  	v35 =	vadd.s32 v9, v35;
	_ =	sdelay $0x3  }
0x40: {  	[tilespmem:v55+s10+$0x0] =	vst.idx.msk vm4, v1  }
0x41: {  	[tilespmem:v35+s12+$0x0] =	vst.idx.msk vm5, v1  }
0x42: {  	v34 =	vld [tilespmem:$0x50];
	_ =	sdelay $0x4  }
0x43: {  	v56 =	vshll.u32 v34, $0x8;
	v57 =	vshll.u32 v34, $0x7  }
0x44: {  	v35 =	vand.u32 $0xFFFFF800, v56;
	v36 =	vand.u32 $0x380, v57  }
0x45: {  	vm6 =	vlt.s32 v34, $0x80;
	v35 =	vor.u32 v35, v36  }
0x46: {  	vm7 =	vge.s32 v34, $0x80;
	v58 =	vor.u32 v10, v35  }
0x47: {  	v35 =	vadd.s32 v11, v35;
	_ =	sdelay $0x3  }
0x48: {  	[tilespmem:v58+s10+$0x0] =	vst.idx.msk vm6, v1  }
0x49: {  	[tilespmem:v35+s12+$0x0] =	vst.idx.msk vm7, v1  }
0x4a: {  	v34 =	vld [tilespmem:$0x60];
	_ =	sdelay $0x4  }
0x4b: {  	v59 =	vshll.u32 v34, $0x8;
	v60 =	vshll.u32 v34, $0x7  }
0x4c: {  	v35 =	vand.u32 $0xFFFFF800, v59;
	v36 =	vand.u32 $0x380, v60  }
0x4d: {  	vm8 =	vlt.s32 v34, $0x80;
	v35 =	vor.u32 v35, v36  }
0x4e: {  	vm9 =	vge.s32 v34, $0x80;
	v61 =	vor.u32 v12, v35  }
0x4f: {  	v35 =	vadd.s32 v13, v35;
	_ =	sdelay $0x3  }
0x50: {  	[tilespmem:v61+s10+$0x0] =	vst.idx.msk vm8, v1  }
0x51: {  	[tilespmem:v35+s12+$0x0] =	vst.idx.msk vm9, v1  }
0x52: {  	v34 =	vld [tilespmem:$0x70];
	_ =	sdelay $0x4  }
0x53: {  	v62 =	vshll.u32 v34, $0x8;
	v63 =	vshll.u32 v34, $0x7  }
0x54: {  	v35 =	vand.u32 $0xFFFFF800, v62;
	v36 =	vand.u32 $0x380, v63  }
0x55: {  	vm10 =	vlt.s32 v34, $0x80;
	v35 =	vor.u32 v35, v36  }
0x56: {  	vm11 =	vge.s32 v34, $0x80;
	v40 =	vor.u32 v14, v35  }
0x57: {  	v35 =	vadd.s32 v15, v35;
	_ =	sdelay $0x3  }
0x58: {  	[tilespmem:v40+s10+$0x0] =	vst.idx.msk vm10, v1  }
0x59: {  	[tilespmem:v35+s12+$0x0] =	vst.idx.msk vm11, v1  }
0x5a: {  	v34 =	vld [tilespmem:$0x80];
	_ =	sdelay $0x4  }
0x5b: {  	v41 =	vshll.u32 v34, $0x8;
	v42 =	vshll.u32 v34, $0x7  }
0x5c: {  	v35 =	vand.u32 $0xFFFFF800, v41;
	v36 =	vand.u32 $0x380, v42  }
0x5d: {  	vm12 =	vlt.s32 v34, $0x80;
	v35 =	vor.u32 v36, v35  }
0x5e: {  	vm13 =	vge.s32 v34, $0x80;
	v43 =	vor.u32 v16, v35  }
0x5f: {  	v35 =	vadd.s32 v17, v35;
	_ =	sdelay $0x3  }
0x60: {  	[tilespmem:v43+s10+$0x0] =	vst.idx.msk vm12, v1  }
0x61: {  	[tilespmem:v35+s12+$0x0] =	vst.idx.msk vm13, v1  }
0x62: {  	v34 =	vld [tilespmem:$0x90];
	_ =	sdelay $0x4  }
0x63: {  	v44 =	vshll.u32 v34, $0x8;
	v45 =	vshll.u32 v34, $0x7  }
0x64: {  	v35 =	vand.u32 $0xFFFFF800, v44;
	v36 =	vand.u32 $0x380, v45  }
0x65: {  	vm14 =	vlt.s32 v34, $0x80;
	v35 =	vor.u32 v36, v35  }
0x66: {  	vm15 =	vge.s32 v34, $0x80;
	v46 =	vor.u32 v18, v35  }
0x67: {  	v35 =	vadd.s32 v19, v35;
	_ =	sdelay $0x3  }
0x68: {  	[tilespmem:v46+s10+$0x0] =	vst.idx.msk vm14, v1  }
0x69: {  	[tilespmem:v35+s12+$0x0] =	vst.idx.msk vm15, v1  }
0x6a: {  	v34 =	vld [tilespmem:$0xA0];
	_ =	sdelay $0x4  }
0x6b: {  	v47 =	vshll.u32 v34, $0x8;
	v48 =	vshll.u32 v34, $0x7  }
0x6c: {  	v35 =	vand.u32 $0xFFFFF800, v47;
	v36 =	vand.u32 $0x380, v48  }
0x6d: {  	vm4 =	vlt.s32 v34, $0x80;
	v35 =	vor.u32 v36, v35  }
0x6e: {  	vm5 =	vge.s32 v34, $0x80;
	v49 =	vor.u32 v20, v35  }
0x6f: {  	v35 =	vadd.s32 v21, v35;
	_ =	sdelay $0x3  }
0x70: {  	[tilespmem:v49+s10+$0x0] =	vst.idx.msk vm4, v1  }
0x71: {  	[tilespmem:v35+s12+$0x0] =	vst.idx.msk vm5, v1  }
0x72: {  	v34 =	vld [tilespmem:$0xB0];
	_ =	sdelay $0x4  }
0x73: {  	v50 =	vshll.u32 v34, $0x8;
	v51 =	vshll.u32 v34, $0x7  }
0x74: {  	v35 =	vand.u32 $0xFFFFF800, v50;
	v36 =	vand.u32 $0x380, v51  }
0x75: {  	vm6 =	vlt.s32 v34, $0x80;
	v35 =	vor.u32 v36, v35  }
0x76: {  	vm7 =	vge.s32 v34, $0x80;
	v52 =	vor.u32 v22, v35  }
0x77: {  	v35 =	vadd.s32 v23, v35;
	_ =	sdelay $0x3  }
0x78: {  	[tilespmem:v52+s10+$0x0] =	vst.idx.msk vm6, v1  }
0x79: {  	[tilespmem:v35+s12+$0x0] =	vst.idx.msk vm7, v1  }
0x7a: {  	v34 =	vld [tilespmem:$0xC0];
	_ =	sdelay $0x4  }
0x7b: {  	v53 =	vshll.u32 v34, $0x8;
	v54 =	vshll.u32 v34, $0x7  }
0x7c: {  	v35 =	vand.u32 $0xFFFFF800, v53;
	v36 =	vand.u32 $0x380, v54  }
0x7d: {  	vm8 =	vlt.s32 v34, $0x80;
	v35 =	vor.u32 v36, v35  }
0x7e: {  	vm9 =	vge.s32 v34, $0x80;
	v55 =	vor.u32 v24, v35  }
0x7f: {  	v35 =	vadd.s32 v25, v35;
	_ =	sdelay $0x3  }
0x80: {  	[tilespmem:v55+s10+$0x0] =	vst.idx.msk vm8, v1  }
0x81: {  	[tilespmem:v35+s12+$0x0] =	vst.idx.msk vm9, v1  }
0x82: {  	v34 =	vld [tilespmem:$0xD0];
	_ =	sdelay $0x4  }
0x83: {  	v56 =	vshll.u32 v34, $0x8;
	v57 =	vshll.u32 v34, $0x7  }
0x84: {  	v35 =	vand.u32 $0xFFFFF800, v56;
	v36 =	vand.u32 $0x380, v57  }
0x85: {  	vm10 =	vlt.s32 v34, $0x80;
	v35 =	vor.u32 v36, v35  }
0x86: {  	vm11 =	vge.s32 v34, $0x80;
	v58 =	vor.u32 v26, v35  }
0x87: {  	v35 =	vadd.s32 v27, v35;
	_ =	sdelay $0x3  }
0x88: {  	[tilespmem:v58+s10+$0x0] =	vst.idx.msk vm10, v1  }
0x89: {  	[tilespmem:v35+s12+$0x0] =	vst.idx.msk vm11, v1  }
0x8a: {  	v34 =	vld [tilespmem:$0xE0];
	_ =	sdelay $0x4  }
0x8b: {  	v59 =	vshll.u32 v34, $0x8;
	v60 =	vshll.u32 v34, $0x7  }
0x8c: {  	v35 =	vand.u32 $0xFFFFF800, v59;
	v36 =	vand.u32 $0x380, v60  }
0x8d: {  	vm12 =	vlt.s32 v34, $0x80;
	v35 =	vor.u32 v36, v35  }
0x8e: {  	vm13 =	vge.s32 v34, $0x80;
	v61 =	vor.u32 v28, v35  }
0x8f: {  	v35 =	vadd.s32 v29, v35;
	_ =	sdelay $0x3  }
0x90: {  	[tilespmem:v61+s10+$0x0] =	vst.idx.msk vm12, v1  }
0x91: {  	[tilespmem:v35+s12+$0x0] =	vst.idx.msk vm13, v1  }
0x92: {  	v34 =	vld [tilespmem:$0xF0];
	_ =	sdelay $0x4  }
0x93: {  	v62 =	vshll.u32 v34, $0x8;
	v63 =	vshll.u32 v34, $0x7  }
0x94: {  	v35 =	vand.u32 $0xFFFFF800, v62;
	v36 =	vand.u32 $0x380, v63  }
0x95: {  	vm14 =	vlt.s32 v34, $0x80;
	v35 =	vor.u32 v36, v35  }
0x96: {  	vm15 =	vge.s32 v34, $0x80;
	v39 =	vor.u32 v30, v35  }
0x97: {  	v35 =	vadd.s32 v31, v35;
	_ =	sdelay $0x3  }
0x98: {  	[tilespmem:v39+s10+$0x0] =	vst.idx.msk vm14, v1  }
0x99: {  	s21 =	sadd.s32 s20, s8;
	[tilespmem:v35+s12+$0x0] =	vst.idx.msk vm15, v1  }
0x9a: {  	[hbm4b:s21+s1] =	stream.linear.scatter [tilespmem:s10], [sflag:$0x1], $0x8000, $0x38;
	[tilespmem:$0x10200] =	vst v63  }
0x9b: {  	s22 =	sadd.s32 $0x1000, s21  }
0x9c: {  	[hbm4b:s22+s1] =	stream.linear.scatter [tilespmem:s12], [sflag:$0x1], $0x8000, $0x38;
	[tilespmem:$0x10200] =	vst v63  }
0x9d: {  	p0 =	slt.s32 s19, s5;
	s22 =	smov.u32 s5  }
0x9e: {  	s22 =	smov.u32 @p0 s19  }
0x9f: {  	s23 =	sshll.u32 s22, $0x4  }
0xa0: {  	s22 =	sshll.u32 s22, $0x5;
	s23 =	sand.u32 $0x70, s23  }
0xa1: {  	s22 =	sand.u32 $0xFFFFF00, s22;
	s23 =	sadd.s32 s3, s23  }
0xa2: {  	s22 =	sadd.s32 s22, s23  }
0xa3: {  	[tilespmem:s15], [sflag:$0x2] =	stream.strided.gather [hbm4b:s22+s13], $0x100, s14, s13, $0x38;
	[tilespmem:$0x10200] =	vst v63  }
0xa4: {  	_ =	swait.ge [sflag:s16], $0x8000  }
0xa5: {  	[sflag:s16] =	ssyncset.done $0x0  }
0xa6: {  	[sflag:s16] =	ssyncadd.s32 $0xFFFF8000  }
0xa7: {  	_ =	swait.ge [sflag:s16], $0x8000  }
0xa8: {  	[sflag:s16] =	ssyncset.done $0x0  }
0xa9: {  	[sflag:s16] =	ssyncadd.s32 $0xFFFF8000  }
0xaa: {  	v40 =	vld [tilespmem:$0x0];
	_ =	sdelay $0x4  }
0xab: {  	v41 =	vshll.u32 v40, $0x8;
	v42 =	vshll.u32 v40, $0x7  }
0xac: {  	v35 =	vand.u32 $0xFFFFF800, v41;
	v36 =	vand.u32 $0x380, v42  }
0xad: {  	vm4 =	vlt.s32 v40, $0x80;
	v35 =	vor.u32 v35, v36  }
0xae: {  	vm5 =	vge.s32 v40, $0x80;
	v43 =	vor.u32 v0, v35  }
0xaf: {  	v35 =	vadd.s32 v33, v35;
	_ =	sdelay $0x3  }
0xb0: {  	[tilespmem:v43+s10+$0x0] =	vst.idx.msk vm4, v32  }
0xb1: {  	[tilespmem:v35+s12+$0x0] =	vst.idx.msk vm5, v32  }
0xb2: {  	v34 =	vld [tilespmem:$0x10];
	_ =	sdelay $0x4  }
0xb3: {  	v44 =	vshll.u32 v34, $0x8;
	v45 =	vshll.u32 v34, $0x7  }
0xb4: {  	v35 =	vand.u32 $0xFFFFF800, v44;
	v36 =	vand.u32 $0x380, v45  }
0xb5: {  	vm6 =	vlt.s32 v34, $0x80;
	v35 =	vor.u32 v35, v36  }
0xb6: {  	vm7 =	vge.s32 v34, $0x80;
	v46 =	vor.u32 v2, v35  }
0xb7: {  	v35 =	vadd.s32 v3, v35;
	_ =	sdelay $0x3  }
0xb8: {  	[tilespmem:v46+s10+$0x0] =	vst.idx.msk vm6, v32  }
0xb9: {  	[tilespmem:v35+s12+$0x0] =	vst.idx.msk vm7, v32  }
0xba: {  	v34 =	vld [tilespmem:$0x20];
	_ =	sdelay $0x4  }
0xbb: {  	v47 =	vshll.u32 v34, $0x8;
	v48 =	vshll.u32 v34, $0x7  }
0xbc: {  	v35 =	vand.u32 $0xFFFFF800, v47;
	v36 =	vand.u32 $0x380, v48  }
0xbd: {  	vm8 =	vlt.s32 v34, $0x80;
	v35 =	vor.u32 v35, v36  }
0xbe: {  	vm9 =	vge.s32 v34, $0x80;
	v49 =	vor.u32 v4, v35  }
0xbf: {  	v35 =	vadd.s32 v5, v35;
	_ =	sdelay $0x3  }
0xc0: {  	[tilespmem:v49+s10+$0x0] =	vst.idx.msk vm8, v32  }
0xc1: {  	[tilespmem:v35+s12+$0x0] =	vst.idx.msk vm9, v32  }
0xc2: {  	v34 =	vld [tilespmem:$0x30];
	_ =	sdelay $0x4  }
0xc3: {  	v50 =	vshll.u32 v34, $0x8;
	v51 =	vshll.u32 v34, $0x7  }
0xc4: {  	v35 =	vand.u32 $0xFFFFF800, v50;
	v36 =	vand.u32 $0x380, v51  }
0xc5: {  	vm10 =	vlt.s32 v34, $0x80;
	v35 =	vor.u32 v35, v36  }
0xc6: {  	vm11 =	vge.s32 v34, $0x80;
	v52 =	vor.u32 v6, v35  }
0xc7: {  	v35 =	vadd.s32 v7, v35;
	_ =	sdelay $0x3  }
0xc8: {  	[tilespmem:v52+s10+$0x0] =	vst.idx.msk vm10, v32  }
0xc9: {  	[tilespmem:v35+s12+$0x0] =	vst.idx.msk vm11, v32  }
0xca: {  	v34 =	vld [tilespmem:$0x40];
	_ =	sdelay $0x4  }
0xcb: {  	v53 =	vshll.u32 v34, $0x8;
	v54 =	vshll.u32 v34, $0x7  }
0xcc: {  	v35 =	vand.u32 $0xFFFFF800, v53;
	v36 =	vand.u32 $0x380, v54  }
0xcd: {  	vm12 =	vlt.s32 v34, $0x80;
	v35 =	vor.u32 v35, v36  }
0xce: {  	vm13 =	vge.s32 v34, $0x80;
	v55 =	vor.u32 v8, v35  }
0xcf: {  	v35 =	vadd.s32 v9, v35;
	_ =	sdelay $0x3  }
0xd0: {  	[tilespmem:v55+s10+$0x0] =	vst.idx.msk vm12, v32  }
0xd1: {  	[tilespmem:v35+s12+$0x0] =	vst.idx.msk vm13, v32  }
0xd2: {  	v34 =	vld [tilespmem:$0x50];
	_ =	sdelay $0x4  }
0xd3: {  	v56 =	vshll.u32 v34, $0x8;
	v57 =	vshll.u32 v34, $0x7  }
0xd4: {  	v35 =	vand.u32 $0xFFFFF800, v56;
	v36 =	vand.u32 $0x380, v57  }
0xd5: {  	vm14 =	vlt.s32 v34, $0x80;
	v35 =	vor.u32 v35, v36  }
0xd6: {  	vm15 =	vge.s32 v34, $0x80;
	v58 =	vor.u32 v10, v35  }
0xd7: {  	v35 =	vadd.s32 v11, v35;
	_ =	sdelay $0x3  }
0xd8: {  	[tilespmem:v58+s10+$0x0] =	vst.idx.msk vm14, v32  }
0xd9: {  	[tilespmem:v35+s12+$0x0] =	vst.idx.msk vm15, v32  }
0xda: {  	v34 =	vld [tilespmem:$0x60];
	_ =	sdelay $0x4  }
0xdb: {  	v59 =	vshll.u32 v34, $0x8;
	v60 =	vshll.u32 v34, $0x7  }
0xdc: {  	v35 =	vand.u32 $0xFFFFF800, v59;
	v36 =	vand.u32 $0x380, v60  }
0xdd: {  	vm4 =	vlt.s32 v34, $0x80;
	v35 =	vor.u32 v35, v36  }
0xde: {  	vm5 =	vge.s32 v34, $0x80;
	v61 =	vor.u32 v12, v35  }
0xdf: {  	v35 =	vadd.s32 v13, v35;
	_ =	sdelay $0x3  }
0xe0: {  	[tilespmem:v61+s10+$0x0] =	vst.idx.msk vm4, v32  }
0xe1: {  	[tilespmem:v35+s12+$0x0] =	vst.idx.msk vm5, v32  }
0xe2: {  	v34 =	vld [tilespmem:$0x70];
	_ =	sdelay $0x4  }
0xe3: {  	v62 =	vshll.u32 v34, $0x8;
	v63 =	vshll.u32 v34, $0x7  }
0xe4: {  	v35 =	vand.u32 $0xFFFFF800, v62;
	v36 =	vand.u32 $0x380, v63  }
0xe5: {  	vm6 =	vlt.s32 v34, $0x80;
	v35 =	vor.u32 v35, v36  }
0xe6: {  	vm7 =	vge.s32 v34, $0x80;
	v40 =	vor.u32 v14, v35  }
0xe7: {  	v35 =	vadd.s32 v15, v35;
	_ =	sdelay $0x3  }
0xe8: {  	[tilespmem:v40+s10+$0x0] =	vst.idx.msk vm6, v32  }
0xe9: {  	[tilespmem:v35+s12+$0x0] =	vst.idx.msk vm7, v32  }
0xea: {  	v34 =	vld [tilespmem:$0x80];
	_ =	sdelay $0x4  }
0xeb: {  	v41 =	vshll.u32 v34, $0x8;
	v42 =	vshll.u32 v34, $0x7  }
0xec: {  	v35 =	vand.u32 $0xFFFFF800, v41;
	v36 =	vand.u32 $0x380, v42  }
0xed: {  	vm8 =	vlt.s32 v34, $0x80;
	v35 =	vor.u32 v36, v35  }
0xee: {  	vm9 =	vge.s32 v34, $0x80;
	v43 =	vor.u32 v16, v35  }
0xef: {  	v35 =	vadd.s32 v17, v35;
	_ =	sdelay $0x3  }
0xf0: {  	[tilespmem:v43+s10+$0x0] =	vst.idx.msk vm8, v32  }
0xf1: {  	[tilespmem:v35+s12+$0x0] =	vst.idx.msk vm9, v32  }
0xf2: {  	v34 =	vld [tilespmem:$0x90];
	_ =	sdelay $0x4  }
0xf3: {  	v44 =	vshll.u32 v34, $0x8;
	v45 =	vshll.u32 v34, $0x7  }
0xf4: {  	v35 =	vand.u32 $0xFFFFF800, v44;
	v36 =	vand.u32 $0x380, v45  }
0xf5: {  	vm10 =	vlt.s32 v34, $0x80;
	v35 =	vor.u32 v36, v35  }
0xf6: {  	vm11 =	vge.s32 v34, $0x80;
	v46 =	vor.u32 v18, v35  }
0xf7: {  	v35 =	vadd.s32 v19, v35;
	_ =	sdelay $0x3  }
0xf8: {  	[tilespmem:v46+s10+$0x0] =	vst.idx.msk vm10, v32  }
0xf9: {  	[tilespmem:v35+s12+$0x0] =	vst.idx.msk vm11, v32  }
0xfa: {  	v34 =	vld [tilespmem:$0xA0];
	_ =	sdelay $0x4  }
0xfb: {  	v47 =	vshll.u32 v34, $0x8;
	v48 =	vshll.u32 v34, $0x7  }
0xfc: {  	v35 =	vand.u32 $0xFFFFF800, v47;
	v36 =	vand.u32 $0x380, v48  }
0xfd: {  	vm12 =	vlt.s32 v34, $0x80;
	v35 =	vor.u32 v36, v35  }
0xfe: {  	vm13 =	vge.s32 v34, $0x80;
	v49 =	vor.u32 v20, v35  }
0xff: {  	v35 =	vadd.s32 v21, v35;
	_ =	sdelay $0x3  }
0x100: {  	[tilespmem:v49+s10+$0x0] =	vst.idx.msk vm12, v32  }
0x101: {  	[tilespmem:v35+s12+$0x0] =	vst.idx.msk vm13, v32  }
0x102: {  	v34 =	vld [tilespmem:$0xB0];
	_ =	sdelay $0x4  }
0x103: {  	v50 =	vshll.u32 v34, $0x8;
	v51 =	vshll.u32 v34, $0x7  }
0x104: {  	v35 =	vand.u32 $0xFFFFF800, v50;
	v36 =	vand.u32 $0x380, v51  }
0x105: {  	vm14 =	vlt.s32 v34, $0x80;
	v35 =	vor.u32 v36, v35  }
0x106: {  	vm15 =	vge.s32 v34, $0x80;
	v52 =	vor.u32 v22, v35  }
0x107: {  	v35 =	vadd.s32 v23, v35;
	_ =	sdelay $0x3  }
0x108: {  	[tilespmem:v52+s10+$0x0] =	vst.idx.msk vm14, v32  }
0x109: {  	[tilespmem:v35+s12+$0x0] =	vst.idx.msk vm15, v32  }
0x10a: {  	v34 =	vld [tilespmem:$0xC0];
	_ =	sdelay $0x4  }
0x10b: {  	v53 =	vshll.u32 v34, $0x8;
	v54 =	vshll.u32 v34, $0x7  }
0x10c: {  	v35 =	vand.u32 $0xFFFFF800, v53;
	v36 =	vand.u32 $0x380, v54  }
0x10d: {  	vm4 =	vlt.s32 v34, $0x80;
	v35 =	vor.u32 v36, v35  }
0x10e: {  	vm5 =	vge.s32 v34, $0x80;
	v55 =	vor.u32 v24, v35  }
0x10f: {  	v35 =	vadd.s32 v25, v35;
	_ =	sdelay $0x3  }
0x110: {  	[tilespmem:v55+s10+$0x0] =	vst.idx.msk vm4, v32  }
0x111: {  	[tilespmem:v35+s12+$0x0] =	vst.idx.msk vm5, v32  }
0x112: {  	v34 =	vld [tilespmem:$0xD0];
	_ =	sdelay $0x4  }
0x113: {  	v56 =	vshll.u32 v34, $0x8;
	v57 =	vshll.u32 v34, $0x7  }
0x114: {  	v35 =	vand.u32 $0xFFFFF800, v56;
	v36 =	vand.u32 $0x380, v57  }
0x115: {  	vm6 =	vlt.s32 v34, $0x80;
	v35 =	vor.u32 v36, v35  }
0x116: {  	vm7 =	vge.s32 v34, $0x80;
	v58 =	vor.u32 v26, v35  }
0x117: {  	v35 =	vadd.s32 v27, v35;
	_ =	sdelay $0x3  }
0x118: {  	[tilespmem:v58+s10+$0x0] =	vst.idx.msk vm6, v32  }
0x119: {  	[tilespmem:v35+s12+$0x0] =	vst.idx.msk vm7, v32  }
0x11a: {  	v34 =	vld [tilespmem:$0xE0];
	_ =	sdelay $0x4  }
0x11b: {  	v59 =	vshll.u32 v34, $0x8;
	v60 =	vshll.u32 v34, $0x7  }
0x11c: {  	v35 =	vand.u32 $0xFFFFF800, v59;
	v36 =	vand.u32 $0x380, v60  }
0x11d: {  	vm8 =	vlt.s32 v34, $0x80;
	v35 =	vor.u32 v36, v35  }
0x11e: {  	vm9 =	vge.s32 v34, $0x80;
	v61 =	vor.u32 v28, v35  }
0x11f: {  	v35 =	vadd.s32 v29, v35;
	_ =	sdelay $0x3  }
0x120: {  	[tilespmem:v61+s10+$0x0] =	vst.idx.msk vm8, v32  }
0x121: {  	[tilespmem:v35+s12+$0x0] =	vst.idx.msk vm9, v32  }
0x122: {  	v34 =	vld [tilespmem:$0xF0];
	_ =	sdelay $0x4  }
0x123: {  	v62 =	vshll.u32 v34, $0x8;
	v63 =	vshll.u32 v34, $0x7  }
0x124: {  	v35 =	vand.u32 $0xFFFFF800, v62;
	v36 =	vand.u32 $0x380, v63  }
0x125: {  	vm10 =	vlt.s32 v34, $0x80;
	v35 =	vor.u32 v36, v35  }
0x126: {  	vm11 =	vge.s32 v34, $0x80;
	v39 =	vor.u32 v30, v35  }
0x127: {  	v35 =	vadd.s32 v31, v35;
	_ =	sdelay $0x3  }
0x128: {  	[tilespmem:v39+s10+$0x0] =	vst.idx.msk vm10, v32  }
0x129: {  	[tilespmem:v35+s12+$0x0] =	vst.idx.msk vm11, v32  }
0x12a: {  	_ =	swait.ge [sflag:s17], $0x100  }
0x12b: {  	[sflag:s17] =	ssyncset.done $0x0  }
0x12c: {  	[sflag:s17] =	ssyncadd.s32 $0xFFFFFF00  }
0x12d: {  	v40 =	vld [tilespmem:$0x100];
	_ =	sdelay $0x4  }
0x12e: {  	v41 =	vshll.u32 v40, $0x8;
	v42 =	vshll.u32 v40, $0x7  }
0x12f: {  	v35 =	vand.u32 $0xFFFFF800, v41;
	v36 =	vand.u32 $0x380, v42  }
0x130: {  	vm12 =	vlt.s32 v40, $0x80;
	v35 =	vor.u32 v35, v36  }
0x131: {  	vm13 =	vge.s32 v40, $0x80;
	v43 =	vor.u32 v0, v35  }
0x132: {  	v35 =	vadd.s32 v33, v35;
	_ =	sdelay $0x3  }
0x133: {  	[tilespmem:v43+s10+$0x0] =	vst.idx.msk vm12, v1  }
0x134: {  	[tilespmem:v35+s12+$0x0] =	vst.idx.msk vm13, v1  }
0x135: {  	v34 =	vld [tilespmem:$0x110];
	_ =	sdelay $0x4  }
0x136: {  	v44 =	vshll.u32 v34, $0x8;
	v45 =	vshll.u32 v34, $0x7  }
0x137: {  	v35 =	vand.u32 $0xFFFFF800, v44;
	v36 =	vand.u32 $0x380, v45  }
0x138: {  	vm14 =	vlt.s32 v34, $0x80;
	v35 =	vor.u32 v35, v36  }
0x139: {  	vm15 =	vge.s32 v34, $0x80;
	v46 =	vor.u32 v2, v35  }
0x13a: {  	v35 =	vadd.s32 v3, v35;
	_ =	sdelay $0x3  }
0x13b: {  	[tilespmem:v46+s10+$0x0] =	vst.idx.msk vm14, v1  }
0x13c: {  	[tilespmem:v35+s12+$0x0] =	vst.idx.msk vm15, v1  }
0x13d: {  	v34 =	vld [tilespmem:$0x120];
	_ =	sdelay $0x4  }
0x13e: {  	v47 =	vshll.u32 v34, $0x8;
	v48 =	vshll.u32 v34, $0x7  }
0x13f: {  	v35 =	vand.u32 $0xFFFFF800, v47;
	v36 =	vand.u32 $0x380, v48  }
0x140: {  	vm4 =	vlt.s32 v34, $0x80;
	v35 =	vor.u32 v35, v36  }
0x141: {  	vm5 =	vge.s32 v34, $0x80;
	v49 =	vor.u32 v4, v35  }
0x142: {  	v35 =	vadd.s32 v5, v35;
	_ =	sdelay $0x3  }
0x143: {  	[tilespmem:v49+s10+$0x0] =	vst.idx.msk vm4, v1  }
0x144: {  	[tilespmem:v35+s12+$0x0] =	vst.idx.msk vm5, v1  }
0x145: {  	v34 =	vld [tilespmem:$0x130];
	_ =	sdelay $0x4  }
0x146: {  	v50 =	vshll.u32 v34, $0x8;
	v51 =	vshll.u32 v34, $0x7  }
0x147: {  	v35 =	vand.u32 $0xFFFFF800, v50;
	v36 =	vand.u32 $0x380, v51  }
0x148: {  	vm6 =	vlt.s32 v34, $0x80;
	v35 =	vor.u32 v35, v36  }
0x149: {  	vm7 =	vge.s32 v34, $0x80;
	v52 =	vor.u32 v6, v35  }
0x14a: {  	v35 =	vadd.s32 v7, v35;
	_ =	sdelay $0x3  }
0x14b: {  	[tilespmem:v52+s10+$0x0] =	vst.idx.msk vm6, v1  }
0x14c: {  	[tilespmem:v35+s12+$0x0] =	vst.idx.msk vm7, v1  }
0x14d: {  	v34 =	vld [tilespmem:$0x140];
	_ =	sdelay $0x4  }
0x14e: {  	v53 =	vshll.u32 v34, $0x8;
	v54 =	vshll.u32 v34, $0x7  }
0x14f: {  	v35 =	vand.u32 $0xFFFFF800, v53;
	v36 =	vand.u32 $0x380, v54  }
0x150: {  	vm8 =	vlt.s32 v34, $0x80;
	v35 =	vor.u32 v35, v36  }
0x151: {  	vm9 =	vge.s32 v34, $0x80;
	v55 =	vor.u32 v8, v35  }
0x152: {  	v35 =	vadd.s32 v9, v35;
	_ =	sdelay $0x3  }
0x153: {  	[tilespmem:v55+s10+$0x0] =	vst.idx.msk vm8, v1  }
0x154: {  	[tilespmem:v35+s12+$0x0] =	vst.idx.msk vm9, v1  }
0x155: {  	v34 =	vld [tilespmem:$0x150];
	_ =	sdelay $0x4  }
0x156: {  	v56 =	vshll.u32 v34, $0x8;
	v57 =	vshll.u32 v34, $0x7  }
0x157: {  	v35 =	vand.u32 $0xFFFFF800, v56;
	v36 =	vand.u32 $0x380, v57  }
0x158: {  	vm10 =	vlt.s32 v34, $0x80;
	v35 =	vor.u32 v35, v36  }
0x159: {  	vm11 =	vge.s32 v34, $0x80;
	v58 =	vor.u32 v10, v35  }
0x15a: {  	v35 =	vadd.s32 v11, v35;
	_ =	sdelay $0x3  }
0x15b: {  	[tilespmem:v58+s10+$0x0] =	vst.idx.msk vm10, v1  }
0x15c: {  	[tilespmem:v35+s12+$0x0] =	vst.idx.msk vm11, v1  }
0x15d: {  	v34 =	vld [tilespmem:$0x160];
	_ =	sdelay $0x4  }
0x15e: {  	v59 =	vshll.u32 v34, $0x8;
	v60 =	vshll.u32 v34, $0x7  }
0x15f: {  	v35 =	vand.u32 $0xFFFFF800, v59;
	v36 =	vand.u32 $0x380, v60  }
0x160: {  	vm12 =	vlt.s32 v34, $0x80;
	v35 =	vor.u32 v35, v36  }
0x161: {  	vm13 =	vge.s32 v34, $0x80;
	v61 =	vor.u32 v12, v35  }
0x162: {  	v35 =	vadd.s32 v13, v35;
	_ =	sdelay $0x3  }
0x163: {  	[tilespmem:v61+s10+$0x0] =	vst.idx.msk vm12, v1  }
0x164: {  	[tilespmem:v35+s12+$0x0] =	vst.idx.msk vm13, v1  }
0x165: {  	v34 =	vld [tilespmem:$0x170];
	_ =	sdelay $0x4  }
0x166: {  	v62 =	vshll.u32 v34, $0x8;
	v63 =	vshll.u32 v34, $0x7  }
0x167: {  	v35 =	vand.u32 $0xFFFFF800, v62;
	v36 =	vand.u32 $0x380, v63  }
0x168: {  	vm14 =	vlt.s32 v34, $0x80;
	v35 =	vor.u32 v35, v36  }
0x169: {  	vm15 =	vge.s32 v34, $0x80;
	v40 =	vor.u32 v14, v35  }
0x16a: {  	v35 =	vadd.s32 v15, v35;
	_ =	sdelay $0x3  }
0x16b: {  	[tilespmem:v40+s10+$0x0] =	vst.idx.msk vm14, v1  }
0x16c: {  	[tilespmem:v35+s12+$0x0] =	vst.idx.msk vm15, v1  }
0x16d: {  	v34 =	vld [tilespmem:$0x180];
	_ =	sdelay $0x4  }
0x16e: {  	v41 =	vshll.u32 v34, $0x8;
	v42 =	vshll.u32 v34, $0x7  }
0x16f: {  	v35 =	vand.u32 $0xFFFFF800, v41;
	v36 =	vand.u32 $0x380, v42  }
0x170: {  	vm4 =	vlt.s32 v34, $0x80;
	v35 =	vor.u32 v36, v35  }
0x171: {  	vm5 =	vge.s32 v34, $0x80;
	v43 =	vor.u32 v16, v35  }
0x172: {  	v35 =	vadd.s32 v17, v35;
	_ =	sdelay $0x3  }
0x173: {  	[tilespmem:v43+s10+$0x0] =	vst.idx.msk vm4, v1  }
0x174: {  	[tilespmem:v35+s12+$0x0] =	vst.idx.msk vm5, v1  }
0x175: {  	v34 =	vld [tilespmem:$0x190];
	_ =	sdelay $0x4  }
0x176: {  	v44 =	vshll.u32 v34, $0x8;
	v45 =	vshll.u32 v34, $0x7  }
0x177: {  	v35 =	vand.u32 $0xFFFFF800, v44;
	v36 =	vand.u32 $0x380, v45  }
0x178: {  	vm6 =	vlt.s32 v34, $0x80;
	v35 =	vor.u32 v36, v35  }
0x179: {  	vm7 =	vge.s32 v34, $0x80;
	v46 =	vor.u32 v18, v35  }
0x17a: {  	v35 =	vadd.s32 v19, v35;
	_ =	sdelay $0x3  }
0x17b: {  	[tilespmem:v46+s10+$0x0] =	vst.idx.msk vm6, v1  }
0x17c: {  	[tilespmem:v35+s12+$0x0] =	vst.idx.msk vm7, v1  }
0x17d: {  	v34 =	vld [tilespmem:$0x1A0];
	_ =	sdelay $0x4  }
0x17e: {  	v47 =	vshll.u32 v34, $0x8;
	v48 =	vshll.u32 v34, $0x7  }
0x17f: {  	v35 =	vand.u32 $0xFFFFF800, v47;
	v36 =	vand.u32 $0x380, v48  }
0x180: {  	vm8 =	vlt.s32 v34, $0x80;
	v35 =	vor.u32 v36, v35  }
0x181: {  	vm9 =	vge.s32 v34, $0x80;
	v49 =	vor.u32 v20, v35  }
0x182: {  	v35 =	vadd.s32 v21, v35;
	_ =	sdelay $0x3  }
0x183: {  	[tilespmem:v49+s10+$0x0] =	vst.idx.msk vm8, v1  }
0x184: {  	[tilespmem:v35+s12+$0x0] =	vst.idx.msk vm9, v1  }
0x185: {  	v34 =	vld [tilespmem:$0x1B0];
	_ =	sdelay $0x4  }
0x186: {  	v50 =	vshll.u32 v34, $0x8;
	v51 =	vshll.u32 v34, $0x7  }
0x187: {  	v35 =	vand.u32 $0xFFFFF800, v50;
	v36 =	vand.u32 $0x380, v51  }
0x188: {  	vm10 =	vlt.s32 v34, $0x80;
	v35 =	vor.u32 v36, v35  }
0x189: {  	vm11 =	vge.s32 v34, $0x80;
	v52 =	vor.u32 v22, v35  }
0x18a: {  	v35 =	vadd.s32 v23, v35;
	_ =	sdelay $0x3  }
0x18b: {  	[tilespmem:v52+s10+$0x0] =	vst.idx.msk vm10, v1  }
0x18c: {  	[tilespmem:v35+s12+$0x0] =	vst.idx.msk vm11, v1  }
0x18d: {  	v34 =	vld [tilespmem:$0x1C0];
	_ =	sdelay $0x4  }
0x18e: {  	v53 =	vshll.u32 v34, $0x8;
	v54 =	vshll.u32 v34, $0x7  }
0x18f: {  	v35 =	vand.u32 $0xFFFFF800, v53;
	v36 =	vand.u32 $0x380, v54  }
0x190: {  	vm12 =	vlt.s32 v34, $0x80;
	v35 =	vor.u32 v36, v35  }
0x191: {  	vm13 =	vge.s32 v34, $0x80;
	v55 =	vor.u32 v24, v35  }
0x192: {  	v35 =	vadd.s32 v25, v35;
	_ =	sdelay $0x3  }
0x193: {  	[tilespmem:v55+s10+$0x0] =	vst.idx.msk vm12, v1  }
0x194: {  	[tilespmem:v35+s12+$0x0] =	vst.idx.msk vm13, v1  }
0x195: {  	v34 =	vld [tilespmem:$0x1D0];
	_ =	sdelay $0x4  }
0x196: {  	v56 =	vshll.u32 v34, $0x8;
	v57 =	vshll.u32 v34, $0x7  }
0x197: {  	v35 =	vand.u32 $0xFFFFF800, v56;
	v36 =	vand.u32 $0x380, v57  }
0x198: {  	vm14 =	vlt.s32 v34, $0x80;
	v35 =	vor.u32 v36, v35  }
0x199: {  	vm15 =	vge.s32 v34, $0x80;
	v58 =	vor.u32 v26, v35  }
0x19a: {  	v35 =	vadd.s32 v27, v35;
	_ =	sdelay $0x3  }
0x19b: {  	[tilespmem:v58+s10+$0x0] =	vst.idx.msk vm14, v1  }
0x19c: {  	[tilespmem:v35+s12+$0x0] =	vst.idx.msk vm15, v1  }
0x19d: {  	v34 =	vld [tilespmem:$0x1E0];
	_ =	sdelay $0x4  }
0x19e: {  	v59 =	vshll.u32 v34, $0x8;
	v60 =	vshll.u32 v34, $0x7  }
0x19f: {  	v35 =	vand.u32 $0xFFFFF800, v59;
	v36 =	vand.u32 $0x380, v60  }
0x1a0: {  	vm4 =	vlt.s32 v34, $0x80;
	v35 =	vor.u32 v36, v35  }
0x1a1: {  	vm5 =	vge.s32 v34, $0x80;
	v61 =	vor.u32 v28, v35  }
0x1a2: {  	v35 =	vadd.s32 v29, v35;
	_ =	sdelay $0x3  }
0x1a3: {  	[tilespmem:v61+s10+$0x0] =	vst.idx.msk vm4, v1  }
0x1a4: {  	[tilespmem:v35+s12+$0x0] =	vst.idx.msk vm5, v1  }
0x1a5: {  	v34 =	vld [tilespmem:$0x1F0];
	_ =	sdelay $0x4  }
0x1a6: {  	v62 =	vshll.u32 v34, $0x8;
	v63 =	vshll.u32 v34, $0x7  }
0x1a7: {  	v35 =	vand.u32 $0xFFFFF800, v62;
	v36 =	vand.u32 $0x380, v63  }
0x1a8: {  	vm6 =	vlt.s32 v34, $0x80;
	v35 =	vor.u32 v36, v35  }
0x1a9: {  	vm7 =	vge.s32 v34, $0x80;
	v39 =	vor.u32 v30, v35  }
0x1aa: {  	v35 =	vadd.s32 v31, v35;
	_ =	sdelay $0x3  }
0x1ab: {  	[tilespmem:v39+s10+$0x0] =	vst.idx.msk vm6, v1  }
0x1ac: {  	s31 =	sadd.s32 $0x2000, s21;
	[tilespmem:v35+s12+$0x0] =	vst.idx.msk vm7, v1  }
0x1ad: {  	[hbm4b:s31+s1] =	stream.linear.scatter [tilespmem:s10], [sflag:$0x1], $0x8000, $0x38;
	[tilespmem:$0x10200] =	vst v63  }
0x1ae: {  	s21 =	sadd.s32 $0x3000, s21  }
0x1af: {  	[hbm4b:s21+s1] =	stream.linear.scatter [tilespmem:s12], [sflag:$0x1], $0x8000, $0x38;
	[tilespmem:$0x10200] =	vst v63  }
0x1b0: {  	s21 =	sadd.s32 $0x1, s19  }
0x1b1: {  	s22 =	smov.u32 s5;
	p0 =	slt.s32 s21, s5  }
0x1b2: {  	s22 =	smov.u32 @p0 s21  }
0x1b3: {  	s21 =	sshll.u32 s22, $0x4  }
0x1b4: {  	s22 =	sshll.u32 s22, $0x5;
	s21 =	sand.u32 $0x70, s21  }
0x1b5: {  	s22 =	sand.u32 $0xFFFFF00, s22;
	s21 =	sadd.s32 s3, s21  }
0x1b6: {  	s21 =	sadd.s32 s22, s21  }
0x1b7: {  	[tilespmem:s1], [sflag:$0x2] =	stream.strided.gather [hbm4b:s21+s13], $0x100, s14, s13, $0x38;
	[tilespmem:$0x10200] =	vst v63  }
0x1b8: {  	_ =	swait.ge [sflag:s16], $0x8000  }
0x1b9: {  	[sflag:s16] =	ssyncset.done $0x0  }
0x1ba: {  	[sflag:s16] =	ssyncadd.s32 $0xFFFF8000  }
0x1bb: {  	_ =	swait.ge [sflag:s16], $0x8000  }
0x1bc: {  	[sflag:s16] =	ssyncset.done $0x0  }
0x1bd: {  	[sflag:s16] =	ssyncadd.s32 $0xFFFF8000  }
0x1be: {  	v40 =	vld [tilespmem:$0x100];
	_ =	sdelay $0x4  }
0x1bf: {  	v41 =	vshll.u32 v40, $0x8;
	v42 =	vshll.u32 v40, $0x7  }
0x1c0: {  	v35 =	vand.u32 $0xFFFFF800, v41;
	v36 =	vand.u32 $0x380, v42  }
0x1c1: {  	vm8 =	vlt.s32 v40, $0x80;
	v35 =	vor.u32 v35, v36  }
0x1c2: {  	vm9 =	vge.s32 v40, $0x80;
	v43 =	vor.u32 v0, v35  }
0x1c3: {  	v35 =	vadd.s32 v33, v35;
	_ =	sdelay $0x3  }
0x1c4: {  	[tilespmem:v43+s10+$0x0] =	vst.idx.msk vm8, v32  }
0x1c5: {  	[tilespmem:v35+s12+$0x0] =	vst.idx.msk vm9, v32  }
0x1c6: {  	v34 =	vld [tilespmem:$0x110];
	_ =	sdelay $0x4  }
0x1c7: {  	v44 =	vshll.u32 v34, $0x8;
	v45 =	vshll.u32 v34, $0x7  }
0x1c8: {  	v35 =	vand.u32 $0xFFFFF800, v44;
	v36 =	vand.u32 $0x380, v45  }
0x1c9: {  	vm10 =	vlt.s32 v34, $0x80;
	v35 =	vor.u32 v35, v36  }
0x1ca: {  	vm11 =	vge.s32 v34, $0x80;
	v46 =	vor.u32 v2, v35  }
0x1cb: {  	v35 =	vadd.s32 v3, v35;
	_ =	sdelay $0x3  }
0x1cc: {  	[tilespmem:v46+s10+$0x0] =	vst.idx.msk vm10, v32  }
0x1cd: {  	[tilespmem:v35+s12+$0x0] =	vst.idx.msk vm11, v32  }
0x1ce: {  	v34 =	vld [tilespmem:$0x120];
	_ =	sdelay $0x4  }
0x1cf: {  	v47 =	vshll.u32 v34, $0x8;
	v48 =	vshll.u32 v34, $0x7  }
0x1d0: {  	v35 =	vand.u32 $0xFFFFF800, v47;
	v36 =	vand.u32 $0x380, v48  }
0x1d1: {  	vm12 =	vlt.s32 v34, $0x80;
	v35 =	vor.u32 v35, v36  }
0x1d2: {  	vm13 =	vge.s32 v34, $0x80;
	v49 =	vor.u32 v4, v35  }
0x1d3: {  	v35 =	vadd.s32 v5, v35;
	_ =	sdelay $0x3  }
0x1d4: {  	[tilespmem:v49+s10+$0x0] =	vst.idx.msk vm12, v32  }
0x1d5: {  	[tilespmem:v35+s12+$0x0] =	vst.idx.msk vm13, v32  }
0x1d6: {  	v34 =	vld [tilespmem:$0x130];
	_ =	sdelay $0x4  }
0x1d7: {  	v50 =	vshll.u32 v34, $0x8;
	v51 =	vshll.u32 v34, $0x7  }
0x1d8: {  	v35 =	vand.u32 $0xFFFFF800, v50;
	v36 =	vand.u32 $0x380, v51  }
0x1d9: {  	vm14 =	vlt.s32 v34, $0x80;
	v35 =	vor.u32 v35, v36  }
0x1da: {  	vm15 =	vge.s32 v34, $0x80;
	v52 =	vor.u32 v6, v35  }
0x1db: {  	v35 =	vadd.s32 v7, v35;
	_ =	sdelay $0x3  }
0x1dc: {  	[tilespmem:v52+s10+$0x0] =	vst.idx.msk vm14, v32  }
0x1dd: {  	[tilespmem:v35+s12+$0x0] =	vst.idx.msk vm15, v32  }
0x1de: {  	v34 =	vld [tilespmem:$0x140];
	_ =	sdelay $0x4  }
0x1df: {  	v53 =	vshll.u32 v34, $0x8;
	v54 =	vshll.u32 v34, $0x7  }
0x1e0: {  	v35 =	vand.u32 $0xFFFFF800, v53;
	v36 =	vand.u32 $0x380, v54  }
0x1e1: {  	vm4 =	vlt.s32 v34, $0x80;
	v35 =	vor.u32 v35, v36  }
0x1e2: {  	vm5 =	vge.s32 v34, $0x80;
	v55 =	vor.u32 v8, v35  }
0x1e3: {  	v35 =	vadd.s32 v9, v35;
	_ =	sdelay $0x3  }
0x1e4: {  	[tilespmem:v55+s10+$0x0] =	vst.idx.msk vm4, v32  }
0x1e5: {  	[tilespmem:v35+s12+$0x0] =	vst.idx.msk vm5, v32  }
0x1e6: {  	v34 =	vld [tilespmem:$0x150];
	_ =	sdelay $0x4  }
0x1e7: {  	v56 =	vshll.u32 v34, $0x8;
	v57 =	vshll.u32 v34, $0x7  }
0x1e8: {  	v35 =	vand.u32 $0xFFFFF800, v56;
	v36 =	vand.u32 $0x380, v57  }
0x1e9: {  	vm6 =	vlt.s32 v34, $0x80;
	v35 =	vor.u32 v35, v36  }
0x1ea: {  	vm7 =	vge.s32 v34, $0x80;
	v58 =	vor.u32 v10, v35  }
0x1eb: {  	v35 =	vadd.s32 v11, v35;
	_ =	sdelay $0x3  }
0x1ec: {  	[tilespmem:v58+s10+$0x0] =	vst.idx.msk vm6, v32  }
0x1ed: {  	[tilespmem:v35+s12+$0x0] =	vst.idx.msk vm7, v32  }
0x1ee: {  	v34 =	vld [tilespmem:$0x160];
	_ =	sdelay $0x4  }
0x1ef: {  	v59 =	vshll.u32 v34, $0x8;
	v60 =	vshll.u32 v34, $0x7  }
0x1f0: {  	v35 =	vand.u32 $0xFFFFF800, v59;
	v36 =	vand.u32 $0x380, v60  }
0x1f1: {  	vm8 =	vlt.s32 v34, $0x80;
	v35 =	vor.u32 v35, v36  }
0x1f2: {  	vm9 =	vge.s32 v34, $0x80;
	v61 =	vor.u32 v12, v35  }
0x1f3: {  	v35 =	vadd.s32 v13, v35;
	_ =	sdelay $0x3  }
0x1f4: {  	[tilespmem:v61+s10+$0x0] =	vst.idx.msk vm8, v32  }
0x1f5: {  	[tilespmem:v35+s12+$0x0] =	vst.idx.msk vm9, v32  }
0x1f6: {  	v34 =	vld [tilespmem:$0x170];
	_ =	sdelay $0x4  }
0x1f7: {  	v62 =	vshll.u32 v34, $0x8;
	v63 =	vshll.u32 v34, $0x7  }
0x1f8: {  	v35 =	vand.u32 $0xFFFFF800, v62;
	v36 =	vand.u32 $0x380, v63  }
0x1f9: {  	vm10 =	vlt.s32 v34, $0x80;
	v35 =	vor.u32 v35, v36  }
0x1fa: {  	vm11 =	vge.s32 v34, $0x80;
	v39 =	vor.u32 v14, v35  }
0x1fb: {  	v35 =	vadd.s32 v15, v35;
	_ =	sdelay $0x3  }
0x1fc: {  	[tilespmem:v39+s10+$0x0] =	vst.idx.msk vm10, v32  }
0x1fd: {  	[tilespmem:v35+s12+$0x0] =	vst.idx.msk vm11, v32  }
0x1fe: {  	v34 =	vld [tilespmem:$0x180];
	_ =	sdelay $0x4  }
0x1ff: {  	v40 =	vshll.u32 v34, $0x8;
	v41 =	vshll.u32 v34, $0x7  }
0x200: {  	v35 =	vand.u32 $0xFFFFF800, v40;
	v36 =	vand.u32 $0x380, v41  }
0x201: {  	vm12 =	vlt.s32 v34, $0x80;
	v35 =	vor.u32 v36, v35  }
0x202: {  	vm13 =	vge.s32 v34, $0x80;
	v42 =	vor.u32 v16, v35  }
0x203: {  	v35 =	vadd.s32 v17, v35;
	_ =	sdelay $0x3  }
0x204: {  	[tilespmem:v42+s10+$0x0] =	vst.idx.msk vm12, v32  }
0x205: {  	[tilespmem:v35+s12+$0x0] =	vst.idx.msk vm13, v32  }
0x206: {  	v34 =	vld [tilespmem:$0x190];
	_ =	sdelay $0x4  }
0x207: {  	v43 =	vshll.u32 v34, $0x8;
	v44 =	vshll.u32 v34, $0x7  }
0x208: {  	v35 =	vand.u32 $0xFFFFF800, v43;
	v36 =	vand.u32 $0x380, v44  }
0x209: {  	vm14 =	vlt.s32 v34, $0x80;
	v35 =	vor.u32 v36, v35  }
0x20a: {  	vm15 =	vge.s32 v34, $0x80;
	v45 =	vor.u32 v18, v35  }
0x20b: {  	v35 =	vadd.s32 v19, v35;
	_ =	sdelay $0x3  }
0x20c: {  	[tilespmem:v45+s10+$0x0] =	vst.idx.msk vm14, v32  }
0x20d: {  	[tilespmem:v35+s12+$0x0] =	vst.idx.msk vm15, v32  }
0x20e: {  	v34 =	vld [tilespmem:$0x1A0];
	_ =	sdelay $0x4  }
0x20f: {  	v46 =	vshll.u32 v34, $0x8;
	v47 =	vshll.u32 v34, $0x7  }
0x210: {  	v35 =	vand.u32 $0xFFFFF800, v46;
	v36 =	vand.u32 $0x380, v47  }
0x211: {  	vm4 =	vlt.s32 v34, $0x80;
	v35 =	vor.u32 v36, v35  }
0x212: {  	vm5 =	vge.s32 v34, $0x80;
	v48 =	vor.u32 v20, v35  }
0x213: {  	v35 =	vadd.s32 v21, v35;
	_ =	sdelay $0x3  }
0x214: {  	[tilespmem:v48+s10+$0x0] =	vst.idx.msk vm4, v32  }
0x215: {  	[tilespmem:v35+s12+$0x0] =	vst.idx.msk vm5, v32  }
0x216: {  	v34 =	vld [tilespmem:$0x1B0];
	_ =	sdelay $0x4  }
0x217: {  	v49 =	vshll.u32 v34, $0x8;
	v50 =	vshll.u32 v34, $0x7  }
0x218: {  	v35 =	vand.u32 $0xFFFFF800, v49;
	v36 =	vand.u32 $0x380, v50  }
0x219: {  	vm6 =	vlt.s32 v34, $0x80;
	v35 =	vor.u32 v36, v35  }
0x21a: {  	vm7 =	vge.s32 v34, $0x80;
	v51 =	vor.u32 v22, v35  }
0x21b: {  	v35 =	vadd.s32 v23, v35;
	_ =	sdelay $0x3  }
0x21c: {  	[tilespmem:v51+s10+$0x0] =	vst.idx.msk vm6, v32  }
0x21d: {  	[tilespmem:v35+s12+$0x0] =	vst.idx.msk vm7, v32  }
0x21e: {  	v34 =	vld [tilespmem:$0x1C0];
	_ =	sdelay $0x4  }
0x21f: {  	v52 =	vshll.u32 v34, $0x8;
	v53 =	vshll.u32 v34, $0x7  }
0x220: {  	v35 =	vand.u32 $0xFFFFF800, v52;
	v36 =	vand.u32 $0x380, v53  }
0x221: {  	vm8 =	vlt.s32 v34, $0x80;
	v35 =	vor.u32 v36, v35  }
0x222: {  	vm9 =	vge.s32 v34, $0x80;
	v54 =	vor.u32 v24, v35  }
0x223: {  	v35 =	vadd.s32 v25, v35;
	_ =	sdelay $0x3  }
0x224: {  	[tilespmem:v54+s10+$0x0] =	vst.idx.msk vm8, v32  }
0x225: {  	[tilespmem:v35+s12+$0x0] =	vst.idx.msk vm9, v32  }
0x226: {  	v34 =	vld [tilespmem:$0x1D0];
	_ =	sdelay $0x4  }
0x227: {  	v55 =	vshll.u32 v34, $0x8;
	v56 =	vshll.u32 v34, $0x7  }
0x228: {  	v35 =	vand.u32 $0xFFFFF800, v55;
	v36 =	vand.u32 $0x380, v56  }
0x229: {  	vm10 =	vlt.s32 v34, $0x80;
	v35 =	vor.u32 v36, v35  }
0x22a: {  	vm11 =	vge.s32 v34, $0x80;
	v57 =	vor.u32 v26, v35  }
0x22b: {  	v35 =	vadd.s32 v27, v35;
	_ =	sdelay $0x3  }
0x22c: {  	[tilespmem:v57+s10+$0x0] =	vst.idx.msk vm10, v32  }
0x22d: {  	[tilespmem:v35+s12+$0x0] =	vst.idx.msk vm11, v32  }
0x22e: {  	v34 =	vld [tilespmem:$0x1E0];
	_ =	sdelay $0x4  }
0x22f: {  	v58 =	vshll.u32 v34, $0x8;
	v59 =	vshll.u32 v34, $0x7  }
0x230: {  	v35 =	vand.u32 $0xFFFFF800, v58;
	v36 =	vand.u32 $0x380, v59  }
0x231: {  	vm12 =	vlt.s32 v34, $0x80;
	v35 =	vor.u32 v36, v35  }
0x232: {  	vm13 =	vge.s32 v34, $0x80;
	v60 =	vor.u32 v28, v35  }
0x233: {  	v35 =	vadd.s32 v29, v35;
	_ =	sdelay $0x3  }
0x234: {  	[tilespmem:v60+s10+$0x0] =	vst.idx.msk vm12, v32  }
0x235: {  	[tilespmem:v35+s12+$0x0] =	vst.idx.msk vm13, v32  }
0x236: {  	v34 =	vld [tilespmem:$0x1F0];
	_ =	sdelay $0x4  }
0x237: {  	v61 =	vshll.u32 v34, $0x8;
	v62 =	vshll.u32 v34, $0x7  }
0x238: {  	v35 =	vand.u32 $0xFFFFF800, v61;
	v36 =	vand.u32 $0x380, v62  }
0x239: {  	vm14 =	vlt.s32 v34, $0x80;
	v35 =	vor.u32 v36, v35  }
0x23a: {  	vm15 =	vge.s32 v34, $0x80;
	v63 =	vor.u32 v30, v35  }
0x23b: {  	v35 =	vadd.s32 v31, v35;
	_ =	sdelay $0x2  }
0x23c: {  	p0 =	sne.s32 s20, $0x1C000  }
.Ltmp0:
0x23d: {  	[tilespmem:v63+s10+$0x0] =	vst.idx.msk vm14, v32;
	(pc) =	sbr.rel @p0 .LBB2_2-.Ltmp0, $4  }
0x23e: {  	[tilespmem:v35+s12+$0x0] =	vst.idx.msk vm15, v32  }
0x23f: {  	_ =	swait.ge [sflag:s17], $0x100  }
0x240: {  	[sflag:s17] =	ssyncset.done $0x0  }
0x241: {  	s19 =	sadd.s32 $0x2, s19;
	s20 =	sadd.s32 $0x4000, s20;
	[sflag:s17] =	ssyncadd.s32 $0xFFFFFF00  }
0x242: {  	s18 =	sadd.s32 $0x1, s18  }
0x243: {  	p0 =	sne.s32 s18, s7  }
.Ltmp1:
0x244: {  	_ = 	snop;
	(pc) =	sbr.rel @p0 .LBB2_1-.Ltmp1, $1  }
0x245: {  	_ =	sdelay $0x3  }
0x246: {  	_ =	sfence.sel $0x180000  }
0x247: {  	[bflag:$0x0] =	sbarrier.arrive $0xFFFF  }
0x248: {  	p0 =	sne.s32 s2, $0x0;
	_ =	strace $0x90000047  }
0x249: {  	s0 =	sadd.s32 @!p0 $0x100000, s0;
	[bflag:$0x2] =	sbarrier.arrive $0xFFFF  }
0x24a: {  	[sflag:s0] =	ssyncadd.tile.s32 @!p0 $0x1;
	_ =	shalt  }
.Lfunc_end2:
_tile_overlayer_lowered:
.L_overlay_start_2:
0x24b: {  	(tag) =	ssettag $0x2  }
0x24c: {  	s0 =	rddreg [dreg:$0x0];
	s2 =	stileid.u32  }
0x24d: {  	s1 =	rddreg [dreg:$0x1];
	p0 =	sne.s32 s2, $0x0  }
0x24e: {  	s3 =	rddreg [dreg:$0x2];
	[bflag:$0x3] =	sbarrier.arrive $0xFFFF;
	s2 =	simm.s32 @!p0 $0x1C03  }
0x24f: {  	[timem:s3], [sflag:s2] =	dma.local @!p0 [hbm:s0], s1  }
0x250: {  	s0 =	simm.s32 @!p0 $0x3  }
0x251: {  	_ =	swait.ge @!p0 [sflag:s0], s1  }
0x252: {  	s1 =	ssub.s32 @!p0 $0x0, s1;
	[sflag:s0] =	ssyncset.done @!p0 $0x0  }
0x253: {  	[sflag:s0] =	ssyncadd.s32 @!p0 s1  }
0x254: {  	[bflag:$0x3] =	sbarrier.arrive $0xFFFF  }
0x255: {  	_ =	shalt  }

</sc_bundles>
